<compile_context>
chip_gen: v7x
topology: tpu7x:2x2x1
jax: 0.10.2.dev20260603
libtpu: 0.0.44.dev20260713+nightly
codegen_flags: <defaults>
</compile_context>

<pallas_src>
import functools

import jax
import jax.numpy as jnp
from jax import lax
from jax.experimental import pallas as pl
from jax.experimental.pallas import tpu as pltpu
from jax.experimental.pallas import tpu_sc as plsc

NC = 2
NS = 16
CH = 128


def _mesh():
    return plsc.VectorSubcoreMesh(core_axis_name="c", subcore_axis_name="s")


def _sc_kernel(body, n, feat, extra_scratch):
    return functools.partial(
        pl.kernel,
        out_type=[jax.ShapeDtypeStruct((n, feat), jnp.float32),
                  jax.ShapeDtypeStruct((n, feat), jnp.float32)],
        mesh=_mesh(),
        compiler_params=pltpu.CompilerParams(use_tc_tiling_on_sc=False),
        scratch_types=extra_scratch,
    )(body)


def _make_edge_agg(n, feat, cpw, rem):
    rpt = n // NS
    R = 4 if feat <= 16 else 2
    ni = cpw // R
    lo = cpw - ni * R

    def body(table, eiv, zrows, out0, out1, ei_t, ex_t, *rest):
        bufs = rest[0:R]
        acc = rest[R]
        tbl_s = rest[R + 1]
        gs = rest[R + 2:R + 2 + R]
        ss = rest[R + 2 + R:R + 2 + 2 * R]
        c = lax.axis_index("c")
        sub = lax.axis_index("s")
        wid = c * NS + sub
        pltpu.sync_copy(zrows.at[pl.ds(sub * rpt, rpt)],
                        acc.at[pl.ds(sub * rpt, rpt)])
        pltpu.sync_copy(table.at[pl.ds(sub * rpt, rpt)],
                        tbl_s.at[pl.ds(sub * rpt, rpt)])
        pltpu.sync_copy(eiv.at[pl.ds(wid * cpw, cpw)], ei_t)
        if rem:
            pltpu.sync_copy(
                eiv.at[cpw * NC * NS + jnp.minimum(wid, rem - 1)], ex_t)
        plsc.subcore_barrier()

        for t in range(R):
            pltpu.async_copy(tbl_s.at[ei_t.at[t, 0]], bufs[t], gs[t])

        def step(i, carry):
            j0 = R * i
            for t in range(R):
                pltpu.make_async_copy(
                    tbl_s.at[ei_t.at[j0 + t, 0]], bufs[t], gs[t]).wait()
                pltpu.async_copy(
                    bufs[t], acc.at[ei_t.at[j0 + t, 1]], ss[t], add=True)
            for t in range(R):
                pltpu.make_async_copy(
                    bufs[t], acc.at[ei_t.at[j0 + t, 1]], ss[t]).wait()
                pltpu.async_copy(
                    tbl_s.at[ei_t.at[j0 + R + t, 0]], bufs[t], gs[t])
            return carry

        lax.fori_loop(0, ni - 1, step, 0)
        j0 = R * (ni - 1)
        for t in range(R):
            pltpu.make_async_copy(
                tbl_s.at[ei_t.at[j0 + t, 0]], bufs[t], gs[t]).wait()
            pltpu.async_copy(
                bufs[t], acc.at[ei_t.at[j0 + t, 1]], ss[t], add=True)
        for t in range(R):
            pltpu.make_async_copy(
                bufs[t], acc.at[ei_t.at[j0 + t, 1]], ss[t]).wait()

        for t in range(lo):
            j = R * ni + t
            pltpu.async_copy(tbl_s.at[ei_t.at[j, 0]], bufs[t], gs[t])
        for t in range(lo):
            j = R * ni + t
            pltpu.make_async_copy(
                tbl_s.at[ei_t.at[j, 0]], bufs[t], gs[t]).wait()
            pltpu.async_copy(
                bufs[t], acc.at[ei_t.at[j, 1]], ss[t], add=True)
        for t in range(lo):
            j = R * ni + t
            pltpu.make_async_copy(
                bufs[t], acc.at[ei_t.at[j, 1]], ss[t]).wait()

        if rem:
            @pl.when(wid < rem)
            def _():
                pltpu.async_copy(tbl_s.at[ex_t.at[0]], bufs[0], gs[0])
                pltpu.make_async_copy(
                    tbl_s.at[ex_t.at[0]], bufs[0], gs[0]).wait()
                pltpu.async_copy(bufs[0], acc.at[ex_t.at[1]], ss[0], add=True)
                pltpu.make_async_copy(
                    bufs[0], acc.at[ex_t.at[1]], ss[0]).wait()

        plsc.subcore_barrier()

        @pl.when(c == 0)
        def _():
            pltpu.sync_copy(acc.at[pl.ds(sub * rpt, rpt)],
                            out0.at[pl.ds(sub * rpt, rpt)])

        @pl.when(c == 1)
        def _():
            pltpu.sync_copy(acc.at[pl.ds(sub * rpt, rpt)],
                            out1.at[pl.ds(sub * rpt, rpt)])

    return _sc_kernel(body, n, feat, [
        pltpu.VMEM((cpw, 2, CH), jnp.int32),
        pltpu.VMEM((2, CH), jnp.int32),
    ] + [pltpu.VMEM((CH, feat), jnp.float32) for _ in range(R)] + [
        pltpu.VMEM_SHARED((n, feat), jnp.float32),
        pltpu.VMEM_SHARED((n, feat), jnp.float32),
    ] + [pltpu.SemaphoreType.DMA for _ in range(2 * R)])


def _make_deg(n, feat, cpw, rem):
    rpt = n // NS
    R = 2
    ni = cpw // R

    def body(eiv, ones_hbm, zrows, out0, out1, ei_t, ex_t, ones_v, acc,
             s0, s1):
        ss = (s0, s1)
        c = lax.axis_index("c")
        sub = lax.axis_index("s")
        wid = c * NS + sub
        pltpu.sync_copy(zrows.at[pl.ds(sub * rpt, rpt)],
                        acc.at[pl.ds(sub * rpt, rpt)])
        pltpu.sync_copy(eiv.at[pl.ds(wid * cpw, cpw)], ei_t)
        if rem:
            pltpu.sync_copy(
                eiv.at[cpw * NC * NS + jnp.minimum(wid, rem - 1)], ex_t)
        pltpu.sync_copy(ones_hbm, ones_v)
        plsc.subcore_barrier()

        for t in range(R):
            pltpu.async_copy(ones_v, acc.at[ei_t.at[t, 1]], ss[t], add=True)

        def step(i, carry):
            j0 = R * i
            for t in range(R):
                pltpu.make_async_copy(
                    ones_v, acc.at[ei_t.at[j0 + t, 1]], ss[t]).wait()
                pltpu.async_copy(
                    ones_v, acc.at[ei_t.at[j0 + R + t, 1]], ss[t], add=True)
            return carry

        lax.fori_loop(0, ni - 1, step, 0)
        j0 = R * (ni - 1)
        for t in range(R):
            pltpu.make_async_copy(
                ones_v, acc.at[ei_t.at[j0 + t, 1]], ss[t]).wait()

        if rem:
            @pl.when(wid < rem)
            def _():
                pltpu.async_copy(ones_v, acc.at[ex_t.at[1]], s0, add=True)
                pltpu.make_async_copy(ones_v, acc.at[ex_t.at[1]], s0).wait()

        plsc.subcore_barrier()

        @pl.when(c == 0)
        def _():
            pltpu.sync_copy(acc.at[pl.ds(sub * rpt, rpt)],
                            out0.at[pl.ds(sub * rpt, rpt)])

        @pl.when(c == 1)
        def _():
            pltpu.sync_copy(acc.at[pl.ds(sub * rpt, rpt)],
                            out1.at[pl.ds(sub * rpt, rpt)])

    return _sc_kernel(body, n, feat, [
        pltpu.VMEM((cpw, 2, CH), jnp.int32),
        pltpu.VMEM((2, CH), jnp.int32),
        pltpu.VMEM((CH, feat), jnp.float32),
        pltpu.VMEM_SHARED((n, feat), jnp.float32),
        pltpu.SemaphoreType.DMA,
        pltpu.SemaphoreType.DMA,
    ])


def _mm1(x_ref, w1_ref, h_ref):
    h_ref[...] = jnp.dot(x_ref[...], w1_ref[...],
                         preferred_element_type=jnp.float32)


def _scale1(h_ref, d0_ref, d1_ref, hs_ref, dinv_ref):
    deg = d0_ref[:, 0:1] + d1_ref[:, 0:1] + 1.0
    dinv = lax.rsqrt(deg)
    hs_ref[...] = h_ref[...] * dinv
    dinv_ref[...] = dinv


def _dense2(p0_ref, p1_ref, hs1_ref, dinv_ref, b1_ref, w2_ref, hs2_ref):
    dinv = dinv_ref[...]
    out1 = dinv * (p0_ref[...] + p1_ref[...] + hs1_ref[...]) + b1_ref[...]
    h = jnp.maximum(out1, 0.0)
    z = jnp.dot(h, w2_ref[...], preferred_element_type=jnp.float32)
    hs2_ref[...] = z * dinv


def _dense3(p0_ref, p1_ref, hs2_ref, dinv_ref, b2_ref, out_ref):
    dinv = dinv_ref[...]
    logits = dinv * (p0_ref[...] + p1_ref[...] + hs2_ref[...]) + b2_ref[...]
    ncls = out_ref.shape[1]
    mask = lax.broadcasted_iota(jnp.int32, logits.shape, 1) < ncls
    m = jnp.max(jnp.where(mask, logits, -1e30), axis=1, keepdims=True)
    e = jnp.where(mask, jnp.exp(logits - m), 0.0)
    lse = m + jnp.log(jnp.sum(e, axis=1, keepdims=True))
    out_ref[...] = (logits - lse)[:, :ncls]


def _tc_call(fn, out_shapes, *args):
    return pl.pallas_call(
        fn,
        out_shape=[jax.ShapeDtypeStruct(s, jnp.float32) for s in out_shapes],
    )(*args)


def kernel(x, edge_index, W1, b1, W2, b2):
    n, _ = x.shape
    h_dim = W1.shape[1]
    n_cls = W2.shape[1]
    e = edge_index.shape[1]
    nw = NC * NS

    f2 = 16
    g = e // CH
    cpw = g // nw
    rem = g - cpw * nw

    eiv = edge_index.reshape(2, g, CH).transpose(1, 0, 2)

    zrows64 = jnp.zeros((n, h_dim), jnp.float32)
    zrows16 = jnp.zeros((n, f2), jnp.float32)
    ones16 = jnp.ones((CH, f2), jnp.float32)

    deg0, deg1 = _make_deg(n, f2, cpw, rem)(eiv, ones16, zrows16)
    (h1,) = _tc_call(_mm1, [(n, h_dim)], x, W1)

    hs1, dinv = _tc_call(
        _scale1, [(n, h_dim), (n, 1)], h1, deg0, deg1)

    agg10, agg11 = _make_edge_agg(n, h_dim, cpw, rem)(hs1, eiv, zrows64)

    w2p = jnp.pad(W2, ((0, 0), (0, f2 - n_cls)))
    (hs2,) = _tc_call(
        _dense2, [(n, f2)],
        agg10, agg11, hs1, dinv, b1.reshape(1, h_dim), w2p)

    agg20, agg21 = _make_edge_agg(n, f2, cpw, rem)(hs2, eiv, zrows16)

    b2p = jnp.pad(b2, (0, f2 - n_cls)).reshape(1, f2)
    (outp,) = _tc_call(
        _dense3, [(n, n_cls)],
        agg20, agg21, hs2, dinv, b2p)
    return outp

# --- scband reference (transcript-rebuilt; emitter-appended) ---
"""Pipeline reference for scband-amazon-gcn-85899345920152 (READ-ONLY COPY).

The authoritative reference and input builder live on the scoring server;
editing this copy changes nothing except your own understanding.
"""

import jax, jax.numpy as jnp
import numpy as np

N = 10000
E = 320000
D_IN = 128
H = 64
C = 10


def setup_inputs(seed: int = 0) -> dict:
    key = jax.random.key(seed)
    k1, k2, k3, k4 = jax.random.split(key, 4)
    x = jax.random.normal(k1, (N, D_IN), dtype=jnp.float32)
    edge_index = jax.random.randint(k2, (2, E), 0, N, dtype=jnp.int32)
    W1 = jax.random.normal(k3, (D_IN, H), dtype=jnp.float32) * (1.0 / np.sqrt(D_IN))
    b1 = jnp.zeros((H,), dtype=jnp.float32)
    W2 = jax.random.normal(k4, (H, C), dtype=jnp.float32) * (1.0 / np.sqrt(H))
    b2 = jnp.zeros((C,), dtype=jnp.float32)
    return {"x": x, "edge_index": edge_index, "W1": W1, "b1": b1, "W2": W2, "b2": b2}


def _gcn_conv(x, src, dst, W, b):
    # GCNConv: linear transform, symmetric normalization (with self-loops already
    # appended to src/dst), scatter-add aggregation over destination nodes, bias.
    n = x.shape[0]
    h = x @ W
    ones = jnp.ones(dst.shape[0], dtype=h.dtype)
    deg = jax.ops.segment_sum(ones, dst, num_segments=n)
    dinv = jnp.where(deg > 0, jax.lax.rsqrt(deg), 0.0)
    norm = dinv[src] * dinv[dst]
    msg = h[src] * norm[:, None]
    out = jax.ops.segment_sum(msg, dst, num_segments=n)
    return out + b


def reference(x, edge_index, W1, b1, W2, b2):
    n = x.shape[0]
    loop = jnp.arange(n, dtype=edge_index.dtype)
    src = jnp.concatenate([edge_index[0], loop])
    dst = jnp.concatenate([edge_index[1], loop])
    h = jax.nn.relu(_gcn_conv(x, src, dst, W1, b1))
    # dropout p=0.5 is identity in eval mode (training=False)
    out = _gcn_conv(h, src, dst, W2, b2)
    return jax.nn.log_softmax(out, axis=1)

if __name__ == "__main__":
    import jax
    _d = setup_inputs()
    print(jax.jit(kernel)(*tuple(_d.values())))

</pallas_src>

<mosaic_0001>
#map = affine_map<(d0, d1) -> (0, 0, 0)>
#map1 = affine_map<(d0, d1) -> (0, 0)>
module attributes {stable_mosaic.version = 14 : i64} {
  func.func @body(%arg0: i32, %arg1: i32, %arg2: memref<2500x2x128xi32, #tpu.memory_space<hbm>>, %arg3: memref<128x16xf32, #tpu.memory_space<hbm>>, %arg4: memref<10000x16xf32, #tpu.memory_space<hbm>>, %arg5: memref<10000x16xf32, #tpu.memory_space<hbm>>, %arg6: memref<10000x16xf32, #tpu.memory_space<hbm>>, %arg7: memref<78x2x128xi32, #tpu.memory_space<vmem>>, %arg8: memref<2x128xi32, #tpu.memory_space<vmem>>, %arg9: memref<128x16xf32, #tpu.memory_space<vmem>>, %arg10: memref<10000x16xf32, #tpu.memory_space<vmem_shared>>, %arg11: memref<!tpu.dma_semaphore, #tpu.memory_space<semaphore_mem>>, %arg12: memref<!tpu.dma_semaphore, #tpu.memory_space<semaphore_mem>>) attributes {dimension_semantics = [#tpu.dimension_semantics<core_parallel>, #tpu.dimension_semantics<subcore_parallel>], iteration_bounds = array<i64: 2, 16>, scalar_prefetch = 0 : i64, scratch_operands = 6 : i64, tpu.core_type = #tpu.core_type<sc_vector_subcore>, window_params = [{transform_indices = #map}, {transform_indices = #map1}, {transform_indices = #map1}, {transform_indices = #map1}, {transform_indices = #map1}]} {
    %mul3A = arith.constant 16 : i32
    %mul3A_0 = arith.muli %arg0, %mul3A : i32
    %add3A = arith.addi %mul3A_0, %arg1 : i32
    %mul3A_1 = arith.constant 625 : i32
    %mul3A_2 = arith.muli %arg1, %mul3A_1 : i32
    %mul3A_3 = arith.constant 625 : i32
    %mul3A_4 = arith.muli %arg1, %mul3A_3 : i32
    "tpu.region"() ({
      %run_scoped3A = tpu.sem_alloc : memref<!tpu.dma_semaphore, #tpu.memory_space<semaphore_mem>>
      %dma_start3A_57 = arith.constant 0 : i32
      %dma_start3A_58 = tpu.memref_slice %arg10[%mul3A_4, %dma_start3A_57] : memref<10000x16xf32, #tpu.memory_space<vmem_shared>> -> memref<625x16xf32, #tpu.memory_space<vmem_shared>>
      %dma_start3A_59 = arith.constant 0 : i32
      %dma_start3A_60 = tpu.memref_slice %arg4[%mul3A_2, %dma_start3A_59] : memref<10000x16xf32, #tpu.memory_space<hbm>> -> memref<625x16xf32, #tpu.memory_space<hbm>>
      tpu.enqueue_dma source(%dma_start3A_60 : memref<625x16xf32, #tpu.memory_space<hbm>>) target(%dma_start3A_58 : memref<625x16xf32, #tpu.memory_space<vmem_shared>>) target_semaphore(%run_scoped3A : memref<!tpu.dma_semaphore, #tpu.memory_space<semaphore_mem>>)
      %dma_wait3A_61 = arith.constant 0 : i32
      %dma_wait3A_62 = tpu.memref_slice %arg10[%mul3A_4, %dma_wait3A_61] : memref<10000x16xf32, #tpu.memory_space<vmem_shared>> -> memref<625x16xf32, #tpu.memory_space<vmem_shared>>
      %dma_wait3A_63 = arith.constant 0 : i32
      %dma_wait3A_64 = tpu.memref_slice %arg4[%mul3A_2, %dma_wait3A_63] : memref<10000x16xf32, #tpu.memory_space<hbm>> -> memref<625x16xf32, #tpu.memory_space<hbm>>
      tpu.wait_dma2 semaphore(%run_scoped3A : memref<!tpu.dma_semaphore, #tpu.memory_space<semaphore_mem>>) src(%dma_wait3A_64 : memref<625x16xf32, #tpu.memory_space<hbm>>) dst(%dma_wait3A_62 : memref<625x16xf32, #tpu.memory_space<vmem_shared>>)
      tpu.yield
    }) : () -> ()
    %mul3A_5 = arith.constant 78 : i32
    %mul3A_6 = arith.muli %add3A, %mul3A_5 : i32
    "tpu.region"() ({
      %run_scoped3A = tpu.sem_alloc : memref<!tpu.dma_semaphore, #tpu.memory_space<semaphore_mem>>
      %dma_start3A_57 = arith.constant 0 : i32
      %dma_start3A_58 = arith.constant 0 : i32
      %dma_start3A_59 = tpu.memref_slice %arg2[%mul3A_6, %dma_start3A_57, %dma_start3A_58] : memref<2500x2x128xi32, #tpu.memory_space<hbm>> -> memref<78x2x128xi32, #tpu.memory_space<hbm>>
      %dma_start3A_60 = arith.constant 0 : i32
      %dma_start3A_61 = arith.constant 0 : i32
      %dma_start3A_62 = tpu.memref_slice %arg2[%mul3A_6, %dma_start3A_60, %dma_start3A_61] : memref<2500x2x128xi32, #tpu.memory_space<hbm>> -> memref<78x2x128xi32, #tpu.memory_space<hbm>>
      tpu.enqueue_dma source(%dma_start3A_62 : memref<78x2x128xi32, #tpu.memory_space<hbm>>) target(%arg7 : memref<78x2x128xi32, #tpu.memory_space<vmem>>) target_semaphore(%run_scoped3A : memref<!tpu.dma_semaphore, #tpu.memory_space<semaphore_mem>>)
      %dma_wait3A_63 = arith.constant 0 : i32
      %dma_wait3A_64 = arith.constant 0 : i32
      %dma_wait3A_65 = tpu.memref_slice %arg2[%mul3A_6, %dma_wait3A_63, %dma_wait3A_64] : memref<2500x2x128xi32, #tpu.memory_space<hbm>> -> memref<78x2x128xi32, #tpu.memory_space<hbm>>
      %dma_wait3A_66 = arith.constant 0 : i32
      %dma_wait3A_67 = arith.constant 0 : i32
      %dma_wait3A_68 = tpu.memref_slice %arg2[%mul3A_6, %dma_wait3A_66, %dma_wait3A_67] : memref<2500x2x128xi32, #tpu.memory_space<hbm>> -> memref<78x2x128xi32, #tpu.memory_space<hbm>>
      tpu.wait_dma2 semaphore(%run_scoped3A : memref<!tpu.dma_semaphore, #tpu.memory_space<semaphore_mem>>) src(%dma_wait3A_68 : memref<78x2x128xi32, #tpu.memory_space<hbm>>) dst(%arg7 : memref<78x2x128xi32, #tpu.memory_space<vmem>>)
      tpu.yield
    }) : () -> ()
    %min3A = arith.constant 3 : i32
    %min3A_7 = arith.minsi %add3A, %min3A : i32
    %add3A_8 = arith.constant 2496 : i32
    %add3A_9 = arith.addi %add3A_8, %min3A_7 : i32
    "tpu.region"() ({
      %run_scoped3A = tpu.sem_alloc : memref<!tpu.dma_semaphore, #tpu.memory_space<semaphore_mem>>
      %dma_start3A_57 = arith.constant 0 : i32
      %dma_start3A_58 = arith.constant 0 : i32
      %dma_start3A_59 = tpu.memref_slice %arg2[%add3A_9, %dma_start3A_57, %dma_start3A_58] : memref<2500x2x128xi32, #tpu.memory_space<hbm>> -> memref<1x2x128xi32, #tpu.memory_space<hbm>>
      %dma_start3A_60 = tpu.memref_squeeze %dma_start3A_59 : memref<1x2x128xi32, #tpu.memory_space<hbm>> -> memref<2x128xi32, #tpu.memory_space<hbm>>
      %dma_start3A_61 = arith.constant 0 : i32
      %dma_start3A_62 = arith.constant 0 : i32
      %dma_start3A_63 = tpu.memref_slice %arg2[%add3A_9, %dma_start3A_61, %dma_start3A_62] : memref<2500x2x128xi32, #tpu.memory_space<hbm>> -> memref<1x2x128xi32, #tpu.memory_space<hbm>>
      %dma_start3A_64 = tpu.memref_squeeze %dma_start3A_63 : memref<1x2x128xi32, #tpu.memory_space<hbm>> -> memref<2x128xi32, #tpu.memory_space<hbm>>
      tpu.enqueue_dma source(%dma_start3A_64 : memref<2x128xi32, #tpu.memory_space<hbm>>) target(%arg8 : memref<2x128xi32, #tpu.memory_space<vmem>>) target_semaphore(%run_scoped3A : memref<!tpu.dma_semaphore, #tpu.memory_space<semaphore_mem>>)
      %dma_wait3A_65 = arith.constant 0 : i32
      %dma_wait3A_66 = arith.constant 0 : i32
      %dma_wait3A_67 = tpu.memref_slice %arg2[%add3A_9, %dma_wait3A_65, %dma_wait3A_66] : memref<2500x2x128xi32, #tpu.memory_space<hbm>> -> memref<1x2x128xi32, #tpu.memory_space<hbm>>
      %dma_wait3A_68 = tpu.memref_squeeze %dma_wait3A_67 : memref<1x2x128xi32, #tpu.memory_space<hbm>> -> memref<2x128xi32, #tpu.memory_space<hbm>>
      %dma_wait3A_69 = arith.constant 0 : i32
      %dma_wait3A_70 = arith.constant 0 : i32
      %dma_wait3A_71 = tpu.memref_slice %arg2[%add3A_9, %dma_wait3A_69, %dma_wait3A_70] : memref<2500x2x128xi32, #tpu.memory_space<hbm>> -> memref<1x2x128xi32, #tpu.memory_space<hbm>>
      %dma_wait3A_72 = tpu.memref_squeeze %dma_wait3A_71 : memref<1x2x128xi32, #tpu.memory_space<hbm>> -> memref<2x128xi32, #tpu.memory_space<hbm>>
      tpu.wait_dma2 semaphore(%run_scoped3A : memref<!tpu.dma_semaphore, #tpu.memory_space<semaphore_mem>>) src(%dma_wait3A_72 : memref<2x128xi32, #tpu.memory_space<hbm>>) dst(%arg8 : memref<2x128xi32, #tpu.memory_space<vmem>>)
      tpu.yield
    }) : () -> ()
    "tpu.region"() ({
      %run_scoped3A = tpu.sem_alloc : memref<!tpu.dma_semaphore, #tpu.memory_space<semaphore_mem>>
      tpu.enqueue_dma source(%arg3 : memref<128x16xf32, #tpu.memory_space<hbm>>) target(%arg9 : memref<128x16xf32, #tpu.memory_space<vmem>>) target_semaphore(%run_scoped3A : memref<!tpu.dma_semaphore, #tpu.memory_space<semaphore_mem>>)
      tpu.wait_dma2 semaphore(%run_scoped3A : memref<!tpu.dma_semaphore, #tpu.memory_space<semaphore_mem>>) src(%arg3 : memref<128x16xf32, #tpu.memory_space<hbm>>) dst(%arg9 : memref<128x16xf32, #tpu.memory_space<vmem>>)
      tpu.yield
    }) : () -> ()
    %barrier3A = arith.constant 0 : index
    tpu.barrier barrier_id(%barrier3A)
    %dma_start3A = arith.constant 0 : i32
    %dma_start3A_10 = arith.constant 1 : i32
    %dma_start3A_11 = arith.constant 0 : i32
    %dma_start3A_12 = tpu.memref_slice %arg7[%dma_start3A, %dma_start3A_10, %dma_start3A_11] : memref<78x2x128xi32, #tpu.memory_space<vmem>> -> memref<1x1x128xi32, #tpu.memory_space<vmem>>
    %dma_start3A_13 = tpu.memref_squeeze %dma_start3A_12 : memref<1x1x128xi32, #tpu.memory_space<vmem>> -> memref<128xi32, #tpu.memory_space<vmem>>
    %dma_start3A_14 = arith.constant 0 : i32
    %dma_start3A_15 = arith.constant 0 : i32
    %dma_start3A_16 = tpu.memref_slice %arg10[%dma_start3A_14, %dma_start3A_15] : memref<10000x16xf32, #tpu.memory_space<vmem_shared>> -> memref<10000x16xf32, #tpu.memory_space<vmem_shared>>
    tpu.enqueue_indirect_dma source(%arg9 : memref<128x16xf32, #tpu.memory_space<vmem>>) target(%dma_start3A_16 : memref<10000x16xf32, #tpu.memory_space<vmem_shared>>) offsets(%dma_start3A_13 : memref<128xi32, #tpu.memory_space<vmem>>) semaphore(%arg11 : memref<!tpu.dma_semaphore, #tpu.memory_space<semaphore_mem>>) {add = true}
    %dma_start3A_17 = arith.constant 1 : i32
    %dma_start3A_18 = arith.constant 1 : i32
    %dma_start3A_19 = arith.constant 0 : i32
    %dma_start3A_20 = tpu.memref_slice %arg7[%dma_start3A_17, %dma_start3A_18, %dma_start3A_19] : memref<78x2x128xi32, #tpu.memory_space<vmem>> -> memref<1x1x128xi32, #tpu.memory_space<vmem>>
    %dma_start3A_21 = tpu.memref_squeeze %dma_start3A_20 : memref<1x1x128xi32, #tpu.memory_space<vmem>> -> memref<128xi32, #tpu.memory_space<vmem>>
    %dma_start3A_22 = arith.constant 0 : i32
    %dma_start3A_23 = arith.constant 0 : i32
    %dma_start3A_24 = tpu.memref_slice %arg10[%dma_start3A_22, %dma_start3A_23] : memref<10000x16xf32, #tpu.memory_space<vmem_shared>> -> memref<10000x16xf32, #tpu.memory_space<vmem_shared>>
    tpu.enqueue_indirect_dma source(%arg9 : memref<128x16xf32, #tpu.memory_space<vmem>>) target(%dma_start3A_24 : memref<10000x16xf32, #tpu.memory_space<vmem_shared>>) offsets(%dma_start3A_21 : memref<128xi32, #tpu.memory_space<vmem>>) semaphore(%arg12 : memref<!tpu.dma_semaphore, #tpu.memory_space<semaphore_mem>>) {add = true}
    %scan3A = arith.constant 0 : i32
    %scan3A_25 = arith.constant 0 : i32
    %scan3A_26 = arith.constant 38 : i32
    %scan3A_27 = arith.addi %scan3A_25, %scan3A_26 : i32
    %scan3A_28 = arith.constant 1 : i32
    scf.for %scan3A_57 = %scan3A_25 to %scan3A_27 step %scan3A_28  : i32 {
      %mul3A_58 = arith.constant 2 : i32
      %mul3A_59 = arith.muli %mul3A_58, %scan3A_57 : i32
      %add3A_60 = arith.constant 0 : i32
      %add3A_61 = arith.addi %mul3A_59, %add3A_60 : i32
      %dma_wait3A_62 = arith.constant 1 : i32
      %dma_wait3A_63 = arith.constant 0 : i32
      %dma_wait3A_64 = tpu.memref_slice %arg7[%add3A_61, %dma_wait3A_62, %dma_wait3A_63] : memref<78x2x128xi32, #tpu.memory_space<vmem>> -> memref<1x1x128xi32, #tpu.memory_space<vmem>>
      %dma_wait3A_65 = tpu.memref_squeeze %dma_wait3A_64 : memref<1x1x128xi32, #tpu.memory_space<vmem>> -> memref<128xi32, #tpu.memory_space<vmem>>
      %dma_wait3A_66 = arith.constant 0 : i32
      %dma_wait3A_67 = arith.constant 0 : i32
      %dma_wait3A_68 = tpu.memref_slice %arg10[%dma_wait3A_66, %dma_wait3A_67] : memref<10000x16xf32, #tpu.memory_space<vmem_shared>> -> memref<10000x16xf32, #tpu.memory_space<vmem_shared>>
      tpu.wait_indirect_dma semaphore(%arg11 : memref<!tpu.dma_semaphore, #tpu.memory_space<semaphore_mem>>) src(%arg9 : memref<128x16xf32, #tpu.memory_space<vmem>>) dst(%dma_wait3A_68 : memref<10000x16xf32, #tpu.memory_space<vmem_shared>>)
      %add3A_69 = arith.constant 2 : i32
      %add3A_70 = arith.addi %mul3A_59, %add3A_69 : i32
      %add3A_71 = arith.constant 0 : i32
      %add3A_72 = arith.addi %add3A_70, %add3A_71 : i32
      %dma_start3A_73 = arith.constant 1 : i32
      %dma_start3A_74 = arith.constant 0 : i32
      %dma_start3A_75 = tpu.memref_slice %arg7[%add3A_72, %dma_start3A_73, %dma_start3A_74] : memref<78x2x128xi32, #tpu.memory_space<vmem>> -> memref<1x1x128xi32, #tpu.memory_space<vmem>>
      %dma_start3A_76 = tpu.memref_squeeze %dma_start3A_75 : memref<1x1x128xi32, #tpu.memory_space<vmem>> -> memref<128xi32, #tpu.memory_space<vmem>>
      %dma_start3A_77 = arith.constant 0 : i32
      %dma_start3A_78 = arith.constant 0 : i32
      %dma_start3A_79 = tpu.memref_slice %arg10[%dma_start3A_77, %dma_start3A_78] : memref<10000x16xf32, #tpu.memory_space<vmem_shared>> -> memref<10000x16xf32, #tpu.memory_space<vmem_shared>>
      tpu.enqueue_indirect_dma source(%arg9 : memref<128x16xf32, #tpu.memory_space<vmem>>) target(%dma_start3A_79 : memref<10000x16xf32, #tpu.memory_space<vmem_shared>>) offsets(%dma_start3A_76 : memref<128xi32, #tpu.memory_space<vmem>>) semaphore(%arg11 : memref<!tpu.dma_semaphore, #tpu.memory_space<semaphore_mem>>) {add = true}
      %add3A_80 = arith.constant 1 : i32
      %add3A_81 = arith.addi %mul3A_59, %add3A_80 : i32
      %dma_wait3A_82 = arith.constant 1 : i32
      %dma_wait3A_83 = arith.constant 0 : i32
      %dma_wait3A_84 = tpu.memref_slice %arg7[%add3A_81, %dma_wait3A_82, %dma_wait3A_83] : memref<78x2x128xi32, #tpu.memory_space<vmem>> -> memref<1x1x128xi32, #tpu.memory_space<vmem>>
      %dma_wait3A_85 = tpu.memref_squeeze %dma_wait3A_84 : memref<1x1x128xi32, #tpu.memory_space<vmem>> -> memref<128xi32, #tpu.memory_space<vmem>>
      %dma_wait3A_86 = arith.constant 0 : i32
      %dma_wait3A_87 = arith.constant 0 : i32
      %dma_wait3A_88 = tpu.memref_slice %arg10[%dma_wait3A_86, %dma_wait3A_87] : memref<10000x16xf32, #tpu.memory_space<vmem_shared>> -> memref<10000x16xf32, #tpu.memory_space<vmem_shared>>
      tpu.wait_indirect_dma semaphore(%arg12 : memref<!tpu.dma_semaphore, #tpu.memory_space<semaphore_mem>>) src(%arg9 : memref<128x16xf32, #tpu.memory_space<vmem>>) dst(%dma_wait3A_88 : memref<10000x16xf32, #tpu.memory_space<vmem_shared>>)
      %add3A_89 = arith.constant 2 : i32
      %add3A_90 = arith.addi %mul3A_59, %add3A_89 : i32
      %add3A_91 = arith.constant 1 : i32
      %add3A_92 = arith.addi %add3A_90, %add3A_91 : i32
      %dma_start3A_93 = arith.constant 1 : i32
      %dma_start3A_94 = arith.constant 0 : i32
      %dma_start3A_95 = tpu.memref_slice %arg7[%add3A_92, %dma_start3A_93, %dma_start3A_94] : memref<78x2x128xi32, #tpu.memory_space<vmem>> -> memref<1x1x128xi32, #tpu.memory_space<vmem>>
      %dma_start3A_96 = tpu.memref_squeeze %dma_start3A_95 : memref<1x1x128xi32, #tpu.memory_space<vmem>> -> memref<128xi32, #tpu.memory_space<vmem>>
      %dma_start3A_97 = arith.constant 0 : i32
      %dma_start3A_98 = arith.constant 0 : i32
      %dma_start3A_99 = tpu.memref_slice %arg10[%dma_start3A_97, %dma_start3A_98] : memref<10000x16xf32, #tpu.memory_space<vmem_shared>> -> memref<10000x16xf32, #tpu.memory_space<vmem_shared>>
      tpu.enqueue_indirect_dma source(%arg9 : memref<128x16xf32, #tpu.memory_space<vmem>>) target(%dma_start3A_99 : memref<10000x16xf32, #tpu.memory_space<vmem_shared>>) offsets(%dma_start3A_96 : memref<128xi32, #tpu.memory_space<vmem>>) semaphore(%arg12 : memref<!tpu.dma_semaphore, #tpu.memory_space<semaphore_mem>>) {add = true}
    }
    %scan3A_29 = arith.constant 38 : i32
    %dma_wait3A = arith.constant 76 : i32
    %dma_wait3A_30 = arith.constant 1 : i32
    %dma_wait3A_31 = arith.constant 0 : i32
    %dma_wait3A_32 = tpu.memref_slice %arg7[%dma_wait3A, %dma_wait3A_30, %dma_wait3A_31] : memref<78x2x128xi32, #tpu.memory_space<vmem>> -> memref<1x1x128xi32, #tpu.memory_space<vmem>>
    %dma_wait3A_33 = tpu.memref_squeeze %dma_wait3A_32 : memref<1x1x128xi32, #tpu.memory_space<vmem>> -> memref<128xi32, #tpu.memory_space<vmem>>
    %dma_wait3A_34 = arith.constant 0 : i32
    %dma_wait3A_35 = arith.constant 0 : i32
    %dma_wait3A_36 = tpu.memref_slice %arg10[%dma_wait3A_34, %dma_wait3A_35] : memref<10000x16xf32, #tpu.memory_space<vmem_shared>> -> memref<10000x16xf32, #tpu.memory_space<vmem_shared>>
    tpu.wait_indirect_dma semaphore(%arg11 : memref<!tpu.dma_semaphore, #tpu.memory_space<semaphore_mem>>) src(%arg9 : memref<128x16xf32, #tpu.memory_space<vmem>>) dst(%dma_wait3A_36 : memref<10000x16xf32, #tpu.memory_space<vmem_shared>>)
    %dma_wait3A_37 = arith.constant 77 : i32
    %dma_wait3A_38 = arith.constant 1 : i32
    %dma_wait3A_39 = arith.constant 0 : i32
    %dma_wait3A_40 = tpu.memref_slice %arg7[%dma_wait3A_37, %dma_wait3A_38, %dma_wait3A_39] : memref<78x2x128xi32, #tpu.memory_space<vmem>> -> memref<1x1x128xi32, #tpu.memory_space<vmem>>
    %dma_wait3A_41 = tpu.memref_squeeze %dma_wait3A_40 : memref<1x1x128xi32, #tpu.memory_space<vmem>> -> memref<128xi32, #tpu.memory_space<vmem>>
    %dma_wait3A_42 = arith.constant 0 : i32
    %dma_wait3A_43 = arith.constant 0 : i32
    %dma_wait3A_44 = tpu.memref_slice %arg10[%dma_wait3A_42, %dma_wait3A_43] : memref<10000x16xf32, #tpu.memory_space<vmem_shared>> -> memref<10000x16xf32, #tpu.memory_space<vmem_shared>>
    tpu.wait_indirect_dma semaphore(%arg12 : memref<!tpu.dma_semaphore, #tpu.memory_space<semaphore_mem>>) src(%arg9 : memref<128x16xf32, #tpu.memory_space<vmem>>) dst(%dma_wait3A_44 : memref<10000x16xf32, #tpu.memory_space<vmem_shared>>)
    %lt3A = arith.constant 4 : i32
    %lt3A_45 = arith.cmpi slt, %add3A, %lt3A : i32
    %convert_element_type3A = arith.extui %lt3A_45 : i1 to i32
    %cond3A = arith.constant 0 : i32
    %cond3A_46 = arith.cmpi ne, %convert_element_type3A, %cond3A : i32
    scf.if %cond3A_46 {
      %dma_start3A_57 = arith.constant 1 : i32
      %dma_start3A_58 = arith.constant 0 : i32
      %dma_start3A_59 = tpu.memref_slice %arg8[%dma_start3A_57, %dma_start3A_58] : memref<2x128xi32, #tpu.memory_space<vmem>> -> memref<1x128xi32, #tpu.memory_space<vmem>>
      %dma_start3A_60 = tpu.memref_squeeze %dma_start3A_59 : memref<1x128xi32, #tpu.memory_space<vmem>> -> memref<128xi32, #tpu.memory_space<vmem>>
      %dma_start3A_61 = arith.constant 0 : i32
      %dma_start3A_62 = arith.constant 0 : i32
      %dma_start3A_63 = tpu.memref_slice %arg10[%dma_start3A_61, %dma_start3A_62] : memref<10000x16xf32, #tpu.memory_space<vmem_shared>> -> memref<10000x16xf32, #tpu.memory_space<vmem_shared>>
      tpu.enqueue_indirect_dma source(%arg9 : memref<128x16xf32, #tpu.memory_space<vmem>>) target(%dma_start3A_63 : memref<10000x16xf32, #tpu.memory_space<vmem_shared>>) offsets(%dma_start3A_60 : memref<128xi32, #tpu.memory_space<vmem>>) semaphore(%arg11 : memref<!tpu.dma_semaphore, #tpu.memory_space<semaphore_mem>>) {add = true}
      %dma_wait3A_64 = arith.constant 1 : i32
      %dma_wait3A_65 = arith.constant 0 : i32
      %dma_wait3A_66 = tpu.memref_slice %arg8[%dma_wait3A_64, %dma_wait3A_65] : memref<2x128xi32, #tpu.memory_space<vmem>> -> memref<1x128xi32, #tpu.memory_space<vmem>>
      %dma_wait3A_67 = tpu.memref_squeeze %dma_wait3A_66 : memref<1x128xi32, #tpu.memory_space<vmem>> -> memref<128xi32, #tpu.memory_space<vmem>>
      %dma_wait3A_68 = arith.constant 0 : i32
      %dma_wait3A_69 = arith.constant 0 : i32
      %dma_wait3A_70 = tpu.memref_slice %arg10[%dma_wait3A_68, %dma_wait3A_69] : memref<10000x16xf32, #tpu.memory_space<vmem_shared>> -> memref<10000x16xf32, #tpu.memory_space<vmem_shared>>
      tpu.wait_indirect_dma semaphore(%arg11 : memref<!tpu.dma_semaphore, #tpu.memory_space<semaphore_mem>>) src(%arg9 : memref<128x16xf32, #tpu.memory_space<vmem>>) dst(%dma_wait3A_70 : memref<10000x16xf32, #tpu.memory_space<vmem_shared>>)
    } else {
    }
    %barrier3A_47 = arith.constant 0 : index
    tpu.barrier barrier_id(%barrier3A_47)
    %eq3A = arith.constant 0 : i32
    %eq3A_48 = arith.cmpi eq, %arg0, %eq3A : i32
    %convert_element_type3A_49 = arith.extui %eq3A_48 : i1 to i32
    %cond3A_50 = arith.constant 0 : i32
    %cond3A_51 = arith.cmpi ne, %convert_element_type3A_49, %cond3A_50 : i32
    scf.if %cond3A_51 {
      %mul3A_57 = arith.constant 625 : i32
      %mul3A_58 = arith.muli %arg1, %mul3A_57 : i32
      %mul3A_59 = arith.constant 625 : i32
      %mul3A_60 = arith.muli %arg1, %mul3A_59 : i32
      "tpu.region"() ({
        %run_scoped3A = tpu.sem_alloc : memref<!tpu.dma_semaphore, #tpu.memory_space<semaphore_mem>>
        %dma_start3A_61 = arith.constant 0 : i32
        %dma_start3A_62 = tpu.memref_slice %arg5[%mul3A_60, %dma_start3A_61] : memref<10000x16xf32, #tpu.memory_space<hbm>> -> memref<625x16xf32, #tpu.memory_space<hbm>>
        %dma_start3A_63 = arith.constant 0 : i32
        %dma_start3A_64 = tpu.memref_slice %arg10[%mul3A_58, %dma_start3A_63] : memref<10000x16xf32, #tpu.memory_space<vmem_shared>> -> memref<625x16xf32, #tpu.memory_space<vmem_shared>>
        tpu.enqueue_dma source(%dma_start3A_64 : memref<625x16xf32, #tpu.memory_space<vmem_shared>>) target(%dma_start3A_62 : memref<625x16xf32, #tpu.memory_space<hbm>>) target_semaphore(%run_scoped3A : memref<!tpu.dma_semaphore, #tpu.memory_space<semaphore_mem>>)
        %dma_wait3A_65 = arith.constant 0 : i32
        %dma_wait3A_66 = tpu.memref_slice %arg5[%mul3A_60, %dma_wait3A_65] : memref<10000x16xf32, #tpu.memory_space<hbm>> -> memref<625x16xf32, #tpu.memory_space<hbm>>
        %dma_wait3A_67 = arith.constant 0 : i32
        %dma_wait3A_68 = tpu.memref_slice %arg10[%mul3A_58, %dma_wait3A_67] : memref<10000x16xf32, #tpu.memory_space<vmem_shared>> -> memref<625x16xf32, #tpu.memory_space<vmem_shared>>
        tpu.wait_dma2 semaphore(%run_scoped3A : memref<!tpu.dma_semaphore, #tpu.memory_space<semaphore_mem>>) src(%dma_wait3A_68 : memref<625x16xf32, #tpu.memory_space<vmem_shared>>) dst(%dma_wait3A_66 : memref<625x16xf32, #tpu.memory_space<hbm>>)
        tpu.yield
      }) : () -> ()
    } else {
    }
    %eq3A_52 = arith.constant 1 : i32
    %eq3A_53 = arith.cmpi eq, %arg0, %eq3A_52 : i32
    %convert_element_type3A_54 = arith.extui %eq3A_53 : i1 to i32
    %cond3A_55 = arith.constant 0 : i32
    %cond3A_56 = arith.cmpi ne, %convert_element_type3A_54, %cond3A_55 : i32
    scf.if %cond3A_56 {
      %mul3A_57 = arith.constant 625 : i32
      %mul3A_58 = arith.muli %arg1, %mul3A_57 : i32
      %mul3A_59 = arith.constant 625 : i32
      %mul3A_60 = arith.muli %arg1, %mul3A_59 : i32
      "tpu.region"() ({
        %run_scoped3A = tpu.sem_alloc : memref<!tpu.dma_semaphore, #tpu.memory_space<semaphore_mem>>
        %dma_start3A_61 = arith.constant 0 : i32
        %dma_start3A_62 = tpu.memref_slice %arg6[%mul3A_60, %dma_start3A_61] : memref<10000x16xf32, #tpu.memory_space<hbm>> -> memref<625x16xf32, #tpu.memory_space<hbm>>
        %dma_start3A_63 = arith.constant 0 : i32
        %dma_start3A_64 = tpu.memref_slice %arg10[%mul3A_58, %dma_start3A_63] : memref<10000x16xf32, #tpu.memory_space<vmem_shared>> -> memref<625x16xf32, #tpu.memory_space<vmem_shared>>
        tpu.enqueue_dma source(%dma_start3A_64 : memref<625x16xf32, #tpu.memory_space<vmem_shared>>) target(%dma_start3A_62 : memref<625x16xf32, #tpu.memory_space<hbm>>) target_semaphore(%run_scoped3A : memref<!tpu.dma_semaphore, #tpu.memory_space<semaphore_mem>>)
        %dma_wait3A_65 = arith.constant 0 : i32
        %dma_wait3A_66 = tpu.memref_slice %arg6[%mul3A_60, %dma_wait3A_65] : memref<10000x16xf32, #tpu.memory_space<hbm>> -> memref<625x16xf32, #tpu.memory_space<hbm>>
        %dma_wait3A_67 = arith.constant 0 : i32
        %dma_wait3A_68 = tpu.memref_slice %arg10[%mul3A_58, %dma_wait3A_67] : memref<10000x16xf32, #tpu.memory_space<vmem_shared>> -> memref<625x16xf32, #tpu.memory_space<vmem_shared>>
        tpu.wait_dma2 semaphore(%run_scoped3A : memref<!tpu.dma_semaphore, #tpu.memory_space<semaphore_mem>>) src(%dma_wait3A_68 : memref<625x16xf32, #tpu.memory_space<vmem_shared>>) dst(%dma_wait3A_66 : memref<625x16xf32, #tpu.memory_space<hbm>>)
        tpu.yield
      }) : () -> ()
    } else {
    }
    return
  }
}

#map = affine_map<(d0, d1) -> (0, 0)>
#map1 = affine_map<(d0, d1) -> (0, 0, 0)>
module attributes {stable_mosaic.version = 14 : i64} {
  func.func @body(%arg0: i32, %arg1: i32, %arg2: memref<10000x64xf32, #tpu.memory_space<hbm>>, %arg3: memref<2500x2x128xi32, #tpu.memory_space<hbm>>, %arg4: memref<10000x64xf32, #tpu.memory_space<hbm>>, %arg5: memref<10000x64xf32, #tpu.memory_space<hbm>>, %arg6: memref<10000x64xf32, #tpu.memory_space<hbm>>, %arg7: memref<78x2x128xi32, #tpu.memory_space<vmem>>, %arg8: memref<2x128xi32, #tpu.memory_space<vmem>>, %arg9: memref<128x64xf32, #tpu.memory_space<vmem>>, %arg10: memref<128x64xf32, #tpu.memory_space<vmem>>, %arg11: memref<10000x64xf32, #tpu.memory_space<vmem_shared>>, %arg12: memref<10000x64xf32, #tpu.memory_space<vmem_shared>>, %arg13: memref<!tpu.dma_semaphore, #tpu.memory_space<semaphore_mem>>, %arg14: memref<!tpu.dma_semaphore, #tpu.memory_space<semaphore_mem>>, %arg15: memref<!tpu.dma_semaphore, #tpu.memory_space<semaphore_mem>>, %arg16: memref<!tpu.dma_semaphore, #tpu.memory_space<semaphore_mem>>) attributes {dimension_semantics = [#tpu.dimension_semantics<core_parallel>, #tpu.dimension_semantics<subcore_parallel>], iteration_bounds = array<i64: 2, 16>, scalar_prefetch = 0 : i64, scratch_operands = 10 : i64, tpu.core_type = #tpu.core_type<sc_vector_subcore>, window_params = [{transform_indices = #map}, {transform_indices = #map1}, {transform_indices = #map}, {transform_indices = #map}, {transform_indices = #map}]} {
    %mul3A = arith.constant 16 : i32
    %mul3A_0 = arith.muli %arg0, %mul3A : i32
    %add3A = arith.addi %mul3A_0, %arg1 : i32
    %mul3A_1 = arith.constant 625 : i32
    %mul3A_2 = arith.muli %arg1, %mul3A_1 : i32
    %mul3A_3 = arith.constant 625 : i32
    %mul3A_4 = arith.muli %arg1, %mul3A_3 : i32
    "tpu.region"() ({
      %run_scoped3A = tpu.sem_alloc : memref<!tpu.dma_semaphore, #tpu.memory_space<semaphore_mem>>
      %dma_start3A_93 = arith.constant 0 : i32
      %dma_start3A_94 = tpu.memref_slice %arg11[%mul3A_4, %dma_start3A_93] : memref<10000x64xf32, #tpu.memory_space<vmem_shared>> -> memref<625x64xf32, #tpu.memory_space<vmem_shared>>
      %dma_start3A_95 = arith.constant 0 : i32
      %dma_start3A_96 = tpu.memref_slice %arg4[%mul3A_2, %dma_start3A_95] : memref<10000x64xf32, #tpu.memory_space<hbm>> -> memref<625x64xf32, #tpu.memory_space<hbm>>
      tpu.enqueue_dma source(%dma_start3A_96 : memref<625x64xf32, #tpu.memory_space<hbm>>) target(%dma_start3A_94 : memref<625x64xf32, #tpu.memory_space<vmem_shared>>) target_semaphore(%run_scoped3A : memref<!tpu.dma_semaphore, #tpu.memory_space<semaphore_mem>>)
      %dma_wait3A_97 = arith.constant 0 : i32
      %dma_wait3A_98 = tpu.memref_slice %arg11[%mul3A_4, %dma_wait3A_97] : memref<10000x64xf32, #tpu.memory_space<vmem_shared>> -> memref<625x64xf32, #tpu.memory_space<vmem_shared>>
      %dma_wait3A_99 = arith.constant 0 : i32
      %dma_wait3A_100 = tpu.memref_slice %arg4[%mul3A_2, %dma_wait3A_99] : memref<10000x64xf32, #tpu.memory_space<hbm>> -> memref<625x64xf32, #tpu.memory_space<hbm>>
      tpu.wait_dma2 semaphore(%run_scoped3A : memref<!tpu.dma_semaphore, #tpu.memory_space<semaphore_mem>>) src(%dma_wait3A_100 : memref<625x64xf32, #tpu.memory_space<hbm>>) dst(%dma_wait3A_98 : memref<625x64xf32, #tpu.memory_space<vmem_shared>>)
      tpu.yield
    }) : () -> ()
    %mul3A_5 = arith.constant 625 : i32
    %mul3A_6 = arith.muli %arg1, %mul3A_5 : i32
    %mul3A_7 = arith.constant 625 : i32
    %mul3A_8 = arith.muli %arg1, %mul3A_7 : i32
    "tpu.region"() ({
      %run_scoped3A = tpu.sem_alloc : memref<!tpu.dma_semaphore, #tpu.memory_space<semaphore_mem>>
      %dma_start3A_93 = arith.constant 0 : i32
      %dma_start3A_94 = tpu.memref_slice %arg12[%mul3A_8, %dma_start3A_93] : memref<10000x64xf32, #tpu.memory_space<vmem_shared>> -> memref<625x64xf32, #tpu.memory_space<vmem_shared>>
      %dma_start3A_95 = arith.constant 0 : i32
      %dma_start3A_96 = tpu.memref_slice %arg2[%mul3A_6, %dma_start3A_95] : memref<10000x64xf32, #tpu.memory_space<hbm>> -> memref<625x64xf32, #tpu.memory_space<hbm>>
      tpu.enqueue_dma source(%dma_start3A_96 : memref<625x64xf32, #tpu.memory_space<hbm>>) target(%dma_start3A_94 : memref<625x64xf32, #tpu.memory_space<vmem_shared>>) target_semaphore(%run_scoped3A : memref<!tpu.dma_semaphore, #tpu.memory_space<semaphore_mem>>)
      %dma_wait3A_97 = arith.constant 0 : i32
      %dma_wait3A_98 = tpu.memref_slice %arg12[%mul3A_8, %dma_wait3A_97] : memref<10000x64xf32, #tpu.memory_space<vmem_shared>> -> memref<625x64xf32, #tpu.memory_space<vmem_shared>>
      %dma_wait3A_99 = arith.constant 0 : i32
      %dma_wait3A_100 = tpu.memref_slice %arg2[%mul3A_6, %dma_wait3A_99] : memref<10000x64xf32, #tpu.memory_space<hbm>> -> memref<625x64xf32, #tpu.memory_space<hbm>>
      tpu.wait_dma2 semaphore(%run_scoped3A : memref<!tpu.dma_semaphore, #tpu.memory_space<semaphore_mem>>) src(%dma_wait3A_100 : memref<625x64xf32, #tpu.memory_space<hbm>>) dst(%dma_wait3A_98 : memref<625x64xf32, #tpu.memory_space<vmem_shared>>)
      tpu.yield
    }) : () -> ()
    %mul3A_9 = arith.constant 78 : i32
    %mul3A_10 = arith.muli %add3A, %mul3A_9 : i32
    "tpu.region"() ({
      %run_scoped3A = tpu.sem_alloc : memref<!tpu.dma_semaphore, #tpu.memory_space<semaphore_mem>>
      %dma_start3A_93 = arith.constant 0 : i32
      %dma_start3A_94 = arith.constant 0 : i32
      %dma_start3A_95 = tpu.memref_slice %arg3[%mul3A_10, %dma_start3A_93, %dma_start3A_94] : memref<2500x2x128xi32, #tpu.memory_space<hbm>> -> memref<78x2x128xi32, #tpu.memory_space<hbm>>
      %dma_start3A_96 = arith.constant 0 : i32
      %dma_start3A_97 = arith.constant 0 : i32
      %dma_start3A_98 = tpu.memref_slice %arg3[%mul3A_10, %dma_start3A_96, %dma_start3A_97] : memref<2500x2x128xi32, #tpu.memory_space<hbm>> -> memref<78x2x128xi32, #tpu.memory_space<hbm>>
      tpu.enqueue_dma source(%dma_start3A_98 : memref<78x2x128xi32, #tpu.memory_space<hbm>>) target(%arg7 : memref<78x2x128xi32, #tpu.memory_space<vmem>>) target_semaphore(%run_scoped3A : memref<!tpu.dma_semaphore, #tpu.memory_space<semaphore_mem>>)
      %dma_wait3A_99 = arith.constant 0 : i32
      %dma_wait3A_100 = arith.constant 0 : i32
      %dma_wait3A_101 = tpu.memref_slice %arg3[%mul3A_10, %dma_wait3A_99, %dma_wait3A_100] : memref<2500x2x128xi32, #tpu.memory_space<hbm>> -> memref<78x2x128xi32, #tpu.memory_space<hbm>>
      %dma_wait3A_102 = arith.constant 0 : i32
      %dma_wait3A_103 = arith.constant 0 : i32
      %dma_wait3A_104 = tpu.memref_slice %arg3[%mul3A_10, %dma_wait3A_102, %dma_wait3A_103] : memref<2500x2x128xi32, #tpu.memory_space<hbm>> -> memref<78x2x128xi32, #tpu.memory_space<hbm>>
      tpu.wait_dma2 semaphore(%run_scoped3A : memref<!tpu.dma_semaphore, #tpu.memory_space<semaphore_mem>>) src(%dma_wait3A_104 : memref<78x2x128xi32, #tpu.memory_space<hbm>>) dst(%arg7 : memref<78x2x128xi32, #tpu.memory_space<vmem>>)
      tpu.yield
    }) : () -> ()
    %min3A = arith.constant 3 : i32
    %min3A_11 = arith.minsi %add3A, %min3A : i32
    %add3A_12 = arith.constant 2496 : i32
    %add3A_13 = arith.addi %add3A_12, %min3A_11 : i32
    "tpu.region"() ({
      %run_scoped3A = tpu.sem_alloc : memref<!tpu.dma_semaphore, #tpu.memory_space<semaphore_mem>>
      %dma_start3A_93 = arith.constant 0 : i32
      %dma_start3A_94 = arith.constant 0 : i32
      %dma_start3A_95 = tpu.memref_slice %arg3[%add3A_13, %dma_start3A_93, %dma_start3A_94] : memref<2500x2x128xi32, #tpu.memory_space<hbm>> -> memref<1x2x128xi32, #tpu.memory_space<hbm>>
      %dma_start3A_96 = tpu.memref_squeeze %dma_start3A_95 : memref<1x2x128xi32, #tpu.memory_space<hbm>> -> memref<2x128xi32, #tpu.memory_space<hbm>>
      %dma_start3A_97 = arith.constant 0 : i32
      %dma_start3A_98 = arith.constant 0 : i32
      %dma_start3A_99 = tpu.memref_slice %arg3[%add3A_13, %dma_start3A_97, %dma_start3A_98] : memref<2500x2x128xi32, #tpu.memory_space<hbm>> -> memref<1x2x128xi32, #tpu.memory_space<hbm>>
      %dma_start3A_100 = tpu.memref_squeeze %dma_start3A_99 : memref<1x2x128xi32, #tpu.memory_space<hbm>> -> memref<2x128xi32, #tpu.memory_space<hbm>>
      tpu.enqueue_dma source(%dma_start3A_100 : memref<2x128xi32, #tpu.memory_space<hbm>>) target(%arg8 : memref<2x128xi32, #tpu.memory_space<vmem>>) target_semaphore(%run_scoped3A : memref<!tpu.dma_semaphore, #tpu.memory_space<semaphore_mem>>)
      %dma_wait3A_101 = arith.constant 0 : i32
      %dma_wait3A_102 = arith.constant 0 : i32
      %dma_wait3A_103 = tpu.memref_slice %arg3[%add3A_13, %dma_wait3A_101, %dma_wait3A_102] : memref<2500x2x128xi32, #tpu.memory_space<hbm>> -> memref<1x2x128xi32, #tpu.memory_space<hbm>>
      %dma_wait3A_104 = tpu.memref_squeeze %dma_wait3A_103 : memref<1x2x128xi32, #tpu.memory_space<hbm>> -> memref<2x128xi32, #tpu.memory_space<hbm>>
      %dma_wait3A_105 = arith.constant 0 : i32
      %dma_wait3A_106 = arith.constant 0 : i32
      %dma_wait3A_107 = tpu.memref_slice %arg3[%add3A_13, %dma_wait3A_105, %dma_wait3A_106] : memref<2500x2x128xi32, #tpu.memory_space<hbm>> -> memref<1x2x128xi32, #tpu.memory_space<hbm>>
      %dma_wait3A_108 = tpu.memref_squeeze %dma_wait3A_107 : memref<1x2x128xi32, #tpu.memory_space<hbm>> -> memref<2x128xi32, #tpu.memory_space<hbm>>
      tpu.wait_dma2 semaphore(%run_scoped3A : memref<!tpu.dma_semaphore, #tpu.memory_space<semaphore_mem>>) src(%dma_wait3A_108 : memref<2x128xi32, #tpu.memory_space<hbm>>) dst(%arg8 : memref<2x128xi32, #tpu.memory_space<vmem>>)
      tpu.yield
    }) : () -> ()
    %barrier3A = arith.constant 0 : index
    tpu.barrier barrier_id(%barrier3A)
    %dma_start3A = arith.constant 0 : i32
    %dma_start3A_14 = arith.constant 0 : i32
    %dma_start3A_15 = arith.constant 0 : i32
    %dma_start3A_16 = tpu.memref_slice %arg7[%dma_start3A, %dma_start3A_14, %dma_start3A_15] : memref<78x2x128xi32, #tpu.memory_space<vmem>> -> memref<1x1x128xi32, #tpu.memory_space<vmem>>
    %dma_start3A_17 = tpu.memref_squeeze %dma_start3A_16 : memref<1x1x128xi32, #tpu.memory_space<vmem>> -> memref<128xi32, #tpu.memory_space<vmem>>
    %dma_start3A_18 = arith.constant 0 : i32
    %dma_start3A_19 = arith.constant 0 : i32
    %dma_start3A_20 = tpu.memref_slice %arg12[%dma_start3A_18, %dma_start3A_19] : memref<10000x64xf32, #tpu.memory_space<vmem_shared>> -> memref<10000x64xf32, #tpu.memory_space<vmem_shared>>
    tpu.enqueue_indirect_dma source(%dma_start3A_20 : memref<10000x64xf32, #tpu.memory_space<vmem_shared>>) target(%arg9 : memref<128x64xf32, #tpu.memory_space<vmem>>) offsets(%dma_start3A_17 : memref<128xi32, #tpu.memory_space<vmem>>) semaphore(%arg13 : memref<!tpu.dma_semaphore, #tpu.memory_space<semaphore_mem>>)
    %dma_start3A_21 = arith.constant 1 : i32
    %dma_start3A_22 = arith.constant 0 : i32
    %dma_start3A_23 = arith.constant 0 : i32
    %dma_start3A_24 = tpu.memref_slice %arg7[%dma_start3A_21, %dma_start3A_22, %dma_start3A_23] : memref<78x2x128xi32, #tpu.memory_space<vmem>> -> memref<1x1x128xi32, #tpu.memory_space<vmem>>
    %dma_start3A_25 = tpu.memref_squeeze %dma_start3A_24 : memref<1x1x128xi32, #tpu.memory_space<vmem>> -> memref<128xi32, #tpu.memory_space<vmem>>
    %dma_start3A_26 = arith.constant 0 : i32
    %dma_start3A_27 = arith.constant 0 : i32
    %dma_start3A_28 = tpu.memref_slice %arg12[%dma_start3A_26, %dma_start3A_27] : memref<10000x64xf32, #tpu.memory_space<vmem_shared>> -> memref<10000x64xf32, #tpu.memory_space<vmem_shared>>
    tpu.enqueue_indirect_dma source(%dma_start3A_28 : memref<10000x64xf32, #tpu.memory_space<vmem_shared>>) target(%arg10 : memref<128x64xf32, #tpu.memory_space<vmem>>) offsets(%dma_start3A_25 : memref<128xi32, #tpu.memory_space<vmem>>) semaphore(%arg14 : memref<!tpu.dma_semaphore, #tpu.memory_space<semaphore_mem>>)
    %scan3A = arith.constant 0 : i32
    %scan3A_29 = arith.constant 0 : i32
    %scan3A_30 = arith.constant 38 : i32
    %scan3A_31 = arith.addi %scan3A_29, %scan3A_30 : i32
    %scan3A_32 = arith.constant 1 : i32
    scf.for %scan3A_93 = %scan3A_29 to %scan3A_31 step %scan3A_32  : i32 {
      %mul3A_94 = arith.constant 2 : i32
      %mul3A_95 = arith.muli %mul3A_94, %scan3A_93 : i32
      %add3A_96 = arith.constant 0 : i32
      %add3A_97 = arith.addi %mul3A_95, %add3A_96 : i32
      %dma_wait3A_98 = arith.constant 0 : i32
      %dma_wait3A_99 = arith.constant 0 : i32
      %dma_wait3A_100 = tpu.memref_slice %arg7[%add3A_97, %dma_wait3A_98, %dma_wait3A_99] : memref<78x2x128xi32, #tpu.memory_space<vmem>> -> memref<1x1x128xi32, #tpu.memory_space<vmem>>
      %dma_wait3A_101 = tpu.memref_squeeze %dma_wait3A_100 : memref<1x1x128xi32, #tpu.memory_space<vmem>> -> memref<128xi32, #tpu.memory_space<vmem>>
      %dma_wait3A_102 = arith.constant 0 : i32
      %dma_wait3A_103 = arith.constant 0 : i32
      %dma_wait3A_104 = tpu.memref_slice %arg12[%dma_wait3A_102, %dma_wait3A_103] : memref<10000x64xf32, #tpu.memory_space<vmem_shared>> -> memref<10000x64xf32, #tpu.memory_space<vmem_shared>>
      tpu.wait_indirect_dma semaphore(%arg13 : memref<!tpu.dma_semaphore, #tpu.memory_space<semaphore_mem>>) src(%dma_wait3A_104 : memref<10000x64xf32, #tpu.memory_space<vmem_shared>>) dst(%arg9 : memref<128x64xf32, #tpu.memory_space<vmem>>)
      %add3A_105 = arith.constant 0 : i32
      %add3A_106 = arith.addi %mul3A_95, %add3A_105 : i32
      %dma_start3A_107 = arith.constant 1 : i32
      %dma_start3A_108 = arith.constant 0 : i32
      %dma_start3A_109 = tpu.memref_slice %arg7[%add3A_106, %dma_start3A_107, %dma_start3A_108] : memref<78x2x128xi32, #tpu.memory_space<vmem>> -> memref<1x1x128xi32, #tpu.memory_space<vmem>>
      %dma_start3A_110 = tpu.memref_squeeze %dma_start3A_109 : memref<1x1x128xi32, #tpu.memory_space<vmem>> -> memref<128xi32, #tpu.memory_space<vmem>>
      %dma_start3A_111 = arith.constant 0 : i32
      %dma_start3A_112 = arith.constant 0 : i32
      %dma_start3A_113 = tpu.memref_slice %arg11[%dma_start3A_111, %dma_start3A_112] : memref<10000x64xf32, #tpu.memory_space<vmem_shared>> -> memref<10000x64xf32, #tpu.memory_space<vmem_shared>>
      tpu.enqueue_indirect_dma source(%arg9 : memref<128x64xf32, #tpu.memory_space<vmem>>) target(%dma_start3A_113 : memref<10000x64xf32, #tpu.memory_space<vmem_shared>>) offsets(%dma_start3A_110 : memref<128xi32, #tpu.memory_space<vmem>>) semaphore(%arg15 : memref<!tpu.dma_semaphore, #tpu.memory_space<semaphore_mem>>) {add = true}
      %add3A_114 = arith.constant 1 : i32
      %add3A_115 = arith.addi %mul3A_95, %add3A_114 : i32
      %dma_wait3A_116 = arith.constant 0 : i32
      %dma_wait3A_117 = arith.constant 0 : i32
      %dma_wait3A_118 = tpu.memref_slice %arg7[%add3A_115, %dma_wait3A_116, %dma_wait3A_117] : memref<78x2x128xi32, #tpu.memory_space<vmem>> -> memref<1x1x128xi32, #tpu.memory_space<vmem>>
      %dma_wait3A_119 = tpu.memref_squeeze %dma_wait3A_118 : memref<1x1x128xi32, #tpu.memory_space<vmem>> -> memref<128xi32, #tpu.memory_space<vmem>>
      %dma_wait3A_120 = arith.constant 0 : i32
      %dma_wait3A_121 = arith.constant 0 : i32
      %dma_wait3A_122 = tpu.memref_slice %arg12[%dma_wait3A_120, %dma_wait3A_121] : memref<10000x64xf32, #tpu.memory_space<vmem_shared>> -> memref<10000x64xf32, #tpu.memory_space<vmem_shared>>
      tpu.wait_indirect_dma semaphore(%arg14 : memref<!tpu.dma_semaphore, #tpu.memory_space<semaphore_mem>>) src(%dma_wait3A_122 : memref<10000x64xf32, #tpu.memory_space<vmem_shared>>) dst(%arg10 : memref<128x64xf32, #tpu.memory_space<vmem>>)
      %add3A_123 = arith.constant 1 : i32
      %add3A_124 = arith.addi %mul3A_95, %add3A_123 : i32
      %dma_start3A_125 = arith.constant 1 : i32
      %dma_start3A_126 = arith.constant 0 : i32
      %dma_start3A_127 = tpu.memref_slice %arg7[%add3A_124, %dma_start3A_125, %dma_start3A_126] : memref<78x2x128xi32, #tpu.memory_space<vmem>> -> memref<1x1x128xi32, #tpu.memory_space<vmem>>
      %dma_start3A_128 = tpu.memref_squeeze %dma_start3A_127 : memref<1x1x128xi32, #tpu.memory_space<vmem>> -> memref<128xi32, #tpu.memory_space<vmem>>
      %dma_start3A_129 = arith.constant 0 : i32
      %dma_start3A_130 = arith.constant 0 : i32
      %dma_start3A_131 = tpu.memref_slice %arg11[%dma_start3A_129, %dma_start3A_130] : memref<10000x64xf32, #tpu.memory_space<vmem_shared>> -> memref<10000x64xf32, #tpu.memory_space<vmem_shared>>
      tpu.enqueue_indirect_dma source(%arg10 : memref<128x64xf32, #tpu.memory_space<vmem>>) target(%dma_start3A_131 : memref<10000x64xf32, #tpu.memory_space<vmem_shared>>) offsets(%dma_start3A_128 : memref<128xi32, #tpu.memory_space<vmem>>) semaphore(%arg16 : memref<!tpu.dma_semaphore, #tpu.memory_space<semaphore_mem>>) {add = true}
      %add3A_132 = arith.constant 0 : i32
      %add3A_133 = arith.addi %mul3A_95, %add3A_132 : i32
      %dma_wait3A_134 = arith.constant 1 : i32
      %dma_wait3A_135 = arith.constant 0 : i32
      %dma_wait3A_136 = tpu.memref_slice %arg7[%add3A_133, %dma_wait3A_134, %dma_wait3A_135] : memref<78x2x128xi32, #tpu.memory_space<vmem>> -> memref<1x1x128xi32, #tpu.memory_space<vmem>>
      %dma_wait3A_137 = tpu.memref_squeeze %dma_wait3A_136 : memref<1x1x128xi32, #tpu.memory_space<vmem>> -> memref<128xi32, #tpu.memory_space<vmem>>
      %dma_wait3A_138 = arith.constant 0 : i32
      %dma_wait3A_139 = arith.constant 0 : i32
      %dma_wait3A_140 = tpu.memref_slice %arg11[%dma_wait3A_138, %dma_wait3A_139] : memref<10000x64xf32, #tpu.memory_space<vmem_shared>> -> memref<10000x64xf32, #tpu.memory_space<vmem_shared>>
      tpu.wait_indirect_dma semaphore(%arg15 : memref<!tpu.dma_semaphore, #tpu.memory_space<semaphore_mem>>) src(%arg9 : memref<128x64xf32, #tpu.memory_space<vmem>>) dst(%dma_wait3A_140 : memref<10000x64xf32, #tpu.memory_space<vmem_shared>>)
      %add3A_141 = arith.constant 2 : i32
      %add3A_142 = arith.addi %mul3A_95, %add3A_141 : i32
      %add3A_143 = arith.constant 0 : i32
      %add3A_144 = arith.addi %add3A_142, %add3A_143 : i32
      %dma_start3A_145 = arith.constant 0 : i32
      %dma_start3A_146 = arith.constant 0 : i32
      %dma_start3A_147 = tpu.memref_slice %arg7[%add3A_144, %dma_start3A_145, %dma_start3A_146] : memref<78x2x128xi32, #tpu.memory_space<vmem>> -> memref<1x1x128xi32, #tpu.memory_space<vmem>>
      %dma_start3A_148 = tpu.memref_squeeze %dma_start3A_147 : memref<1x1x128xi32, #tpu.memory_space<vmem>> -> memref<128xi32, #tpu.memory_space<vmem>>
      %dma_start3A_149 = arith.constant 0 : i32
      %dma_start3A_150 = arith.constant 0 : i32
      %dma_start3A_151 = tpu.memref_slice %arg12[%dma_start3A_149, %dma_start3A_150] : memref<10000x64xf32, #tpu.memory_space<vmem_shared>> -> memref<10000x64xf32, #tpu.memory_space<vmem_shared>>
      tpu.enqueue_indirect_dma source(%dma_start3A_151 : memref<10000x64xf32, #tpu.memory_space<vmem_shared>>) target(%arg9 : memref<128x64xf32, #tpu.memory_space<vmem>>) offsets(%dma_start3A_148 : memref<128xi32, #tpu.memory_space<vmem>>) semaphore(%arg13 : memref<!tpu.dma_semaphore, #tpu.memory_space<semaphore_mem>>)
      %add3A_152 = arith.constant 1 : i32
      %add3A_153 = arith.addi %mul3A_95, %add3A_152 : i32
      %dma_wait3A_154 = arith.constant 1 : i32
      %dma_wait3A_155 = arith.constant 0 : i32
      %dma_wait3A_156 = tpu.memref_slice %arg7[%add3A_153, %dma_wait3A_154, %dma_wait3A_155] : memref<78x2x128xi32, #tpu.memory_space<vmem>> -> memref<1x1x128xi32, #tpu.memory_space<vmem>>
      %dma_wait3A_157 = tpu.memref_squeeze %dma_wait3A_156 : memref<1x1x128xi32, #tpu.memory_space<vmem>> -> memref<128xi32, #tpu.memory_space<vmem>>
      %dma_wait3A_158 = arith.constant 0 : i32
      %dma_wait3A_159 = arith.constant 0 : i32
      %dma_wait3A_160 = tpu.memref_slice %arg11[%dma_wait3A_158, %dma_wait3A_159] : memref<10000x64xf32, #tpu.memory_space<vmem_shared>> -> memref<10000x64xf32, #tpu.memory_space<vmem_shared>>
      tpu.wait_indirect_dma semaphore(%arg16 : memref<!tpu.dma_semaphore, #tpu.memory_space<semaphore_mem>>) src(%arg10 : memref<128x64xf32, #tpu.memory_space<vmem>>) dst(%dma_wait3A_160 : memref<10000x64xf32, #tpu.memory_space<vmem_shared>>)
      %add3A_161 = arith.constant 2 : i32
      %add3A_162 = arith.addi %mul3A_95, %add3A_161 : i32
      %add3A_163 = arith.constant 1 : i32
      %add3A_164 = arith.addi %add3A_162, %add3A_163 : i32
      %dma_start3A_165 = arith.constant 0 : i32
      %dma_start3A_166 = arith.constant 0 : i32
      %dma_start3A_167 = tpu.memref_slice %arg7[%add3A_164, %dma_start3A_165, %dma_start3A_166] : memref<78x2x128xi32, #tpu.memory_space<vmem>> -> memref<1x1x128xi32, #tpu.memory_space<vmem>>
      %dma_start3A_168 = tpu.memref_squeeze %dma_start3A_167 : memref<1x1x128xi32, #tpu.memory_space<vmem>> -> memref<128xi32, #tpu.memory_space<vmem>>
      %dma_start3A_169 = arith.constant 0 : i32
      %dma_start3A_170 = arith.constant 0 : i32
      %dma_start3A_171 = tpu.memref_slice %arg12[%dma_start3A_169, %dma_start3A_170] : memref<10000x64xf32, #tpu.memory_space<vmem_shared>> -> memref<10000x64xf32, #tpu.memory_space<vmem_shared>>
      tpu.enqueue_indirect_dma source(%dma_start3A_171 : memref<10000x64xf32, #tpu.memory_space<vmem_shared>>) target(%arg10 : memref<128x64xf32, #tpu.memory_space<vmem>>) offsets(%dma_start3A_168 : memref<128xi32, #tpu.memory_space<vmem>>) semaphore(%arg14 : memref<!tpu.dma_semaphore, #tpu.memory_space<semaphore_mem>>)
    }
    %scan3A_33 = arith.constant 38 : i32
    %dma_wait3A = arith.constant 76 : i32
    %dma_wait3A_34 = arith.constant 0 : i32
    %dma_wait3A_35 = arith.constant 0 : i32
    %dma_wait3A_36 = tpu.memref_slice %arg7[%dma_wait3A, %dma_wait3A_34, %dma_wait3A_35] : memref<78x2x128xi32, #tpu.memory_space<vmem>> -> memref<1x1x128xi32, #tpu.memory_space<vmem>>
    %dma_wait3A_37 = tpu.memref_squeeze %dma_wait3A_36 : memref<1x1x128xi32, #tpu.memory_space<vmem>> -> memref<128xi32, #tpu.memory_space<vmem>>
    %dma_wait3A_38 = arith.constant 0 : i32
    %dma_wait3A_39 = arith.constant 0 : i32
    %dma_wait3A_40 = tpu.memref_slice %arg12[%dma_wait3A_38, %dma_wait3A_39] : memref<10000x64xf32, #tpu.memory_space<vmem_shared>> -> memref<10000x64xf32, #tpu.memory_space<vmem_shared>>
    tpu.wait_indirect_dma semaphore(%arg13 : memref<!tpu.dma_semaphore, #tpu.memory_space<semaphore_mem>>) src(%dma_wait3A_40 : memref<10000x64xf32, #tpu.memory_space<vmem_shared>>) dst(%arg9 : memref<128x64xf32, #tpu.memory_space<vmem>>)
    %dma_start3A_41 = arith.constant 76 : i32
    %dma_start3A_42 = arith.constant 1 : i32
    %dma_start3A_43 = arith.constant 0 : i32
    %dma_start3A_44 = tpu.memref_slice %arg7[%dma_start3A_41, %dma_start3A_42, %dma_start3A_43] : memref<78x2x128xi32, #tpu.memory_space<vmem>> -> memref<1x1x128xi32, #tpu.memory_space<vmem>>
    %dma_start3A_45 = tpu.memref_squeeze %dma_start3A_44 : memref<1x1x128xi32, #tpu.memory_space<vmem>> -> memref<128xi32, #tpu.memory_space<vmem>>
    %dma_start3A_46 = arith.constant 0 : i32
    %dma_start3A_47 = arith.constant 0 : i32
    %dma_start3A_48 = tpu.memref_slice %arg11[%dma_start3A_46, %dma_start3A_47] : memref<10000x64xf32, #tpu.memory_space<vmem_shared>> -> memref<10000x64xf32, #tpu.memory_space<vmem_shared>>
    tpu.enqueue_indirect_dma source(%arg9 : memref<128x64xf32, #tpu.memory_space<vmem>>) target(%dma_start3A_48 : memref<10000x64xf32, #tpu.memory_space<vmem_shared>>) offsets(%dma_start3A_45 : memref<128xi32, #tpu.memory_space<vmem>>) semaphore(%arg15 : memref<!tpu.dma_semaphore, #tpu.memory_space<semaphore_mem>>) {add = true}
    %dma_wait3A_49 = arith.constant 77 : i32
    %dma_wait3A_50 = arith.constant 0 : i32
    %dma_wait3A_51 = arith.constant 0 : i32
    %dma_wait3A_52 = tpu.memref_slice %arg7[%dma_wait3A_49, %dma_wait3A_50, %dma_wait3A_51] : memref<78x2x128xi32, #tpu.memory_space<vmem>> -> memref<1x1x128xi32, #tpu.memory_space<vmem>>
    %dma_wait3A_53 = tpu.memref_squeeze %dma_wait3A_52 : memref<1x1x128xi32, #tpu.memory_space<vmem>> -> memref<128xi32, #tpu.memory_space<vmem>>
    %dma_wait3A_54 = arith.constant 0 : i32
    %dma_wait3A_55 = arith.constant 0 : i32
    %dma_wait3A_56 = tpu.memref_slice %arg12[%dma_wait3A_54, %dma_wait3A_55] : memref<10000x64xf32, #tpu.memory_space<vmem_shared>> -> memref<10000x64xf32, #tpu.memory_space<vmem_shared>>
    tpu.wait_indirect_dma semaphore(%arg14 : memref<!tpu.dma_semaphore, #tpu.memory_space<semaphore_mem>>) src(%dma_wait3A_56 : memref<10000x64xf32, #tpu.memory_space<vmem_shared>>) dst(%arg10 : memref<128x64xf32, #tpu.memory_space<vmem>>)
    %dma_start3A_57 = arith.constant 77 : i32
    %dma_start3A_58 = arith.constant 1 : i32
    %dma_start3A_59 = arith.constant 0 : i32
    %dma_start3A_60 = tpu.memref_slice %arg7[%dma_start3A_57, %dma_start3A_58, %dma_start3A_59] : memref<78x2x128xi32, #tpu.memory_space<vmem>> -> memref<1x1x128xi32, #tpu.memory_space<vmem>>
    %dma_start3A_61 = tpu.memref_squeeze %dma_start3A_60 : memref<1x1x128xi32, #tpu.memory_space<vmem>> -> memref<128xi32, #tpu.memory_space<vmem>>
    %dma_start3A_62 = arith.constant 0 : i32
    %dma_start3A_63 = arith.constant 0 : i32
    %dma_start3A_64 = tpu.memref_slice %arg11[%dma_start3A_62, %dma_start3A_63] : memref<10000x64xf32, #tpu.memory_space<vmem_shared>> -> memref<10000x64xf32, #tpu.memory_space<vmem_shared>>
    tpu.enqueue_indirect_dma source(%arg10 : memref<128x64xf32, #tpu.memory_space<vmem>>) target(%dma_start3A_64 : memref<10000x64xf32, #tpu.memory_space<vmem_shared>>) offsets(%dma_start3A_61 : memref<128xi32, #tpu.memory_space<vmem>>) semaphore(%arg16 : memref<!tpu.dma_semaphore, #tpu.memory_space<semaphore_mem>>) {add = true}
    %dma_wait3A_65 = arith.constant 76 : i32
    %dma_wait3A_66 = arith.constant 1 : i32
    %dma_wait3A_67 = arith.constant 0 : i32
    %dma_wait3A_68 = tpu.memref_slice %arg7[%dma_wait3A_65, %dma_wait3A_66, %dma_wait3A_67] : memref<78x2x128xi32, #tpu.memory_space<vmem>> -> memref<1x1x128xi32, #tpu.memory_space<vmem>>
    %dma_wait3A_69 = tpu.memref_squeeze %dma_wait3A_68 : memref<1x1x128xi32, #tpu.memory_space<vmem>> -> memref<128xi32, #tpu.memory_space<vmem>>
    %dma_wait3A_70 = arith.constant 0 : i32
    %dma_wait3A_71 = arith.constant 0 : i32
    %dma_wait3A_72 = tpu.memref_slice %arg11[%dma_wait3A_70, %dma_wait3A_71] : memref<10000x64xf32, #tpu.memory_space<vmem_shared>> -> memref<10000x64xf32, #tpu.memory_space<vmem_shared>>
    tpu.wait_indirect_dma semaphore(%arg15 : memref<!tpu.dma_semaphore, #tpu.memory_space<semaphore_mem>>) src(%arg9 : memref<128x64xf32, #tpu.memory_space<vmem>>) dst(%dma_wait3A_72 : memref<10000x64xf32, #tpu.memory_space<vmem_shared>>)
    %dma_wait3A_73 = arith.constant 77 : i32
    %dma_wait3A_74 = arith.constant 1 : i32
    %dma_wait3A_75 = arith.constant 0 : i32
    %dma_wait3A_76 = tpu.memref_slice %arg7[%dma_wait3A_73, %dma_wait3A_74, %dma_wait3A_75] : memref<78x2x128xi32, #tpu.memory_space<vmem>> -> memref<1x1x128xi32, #tpu.memory_space<vmem>>
    %dma_wait3A_77 = tpu.memref_squeeze %dma_wait3A_76 : memref<1x1x128xi32, #tpu.memory_space<vmem>> -> memref<128xi32, #tpu.memory_space<vmem>>
    %dma_wait3A_78 = arith.constant 0 : i32
    %dma_wait3A_79 = arith.constant 0 : i32
    %dma_wait3A_80 = tpu.memref_slice %arg11[%dma_wait3A_78, %dma_wait3A_79] : memref<10000x64xf32, #tpu.memory_space<vmem_shared>> -> memref<10000x64xf32, #tpu.memory_space<vmem_shared>>
    tpu.wait_indirect_dma semaphore(%arg16 : memref<!tpu.dma_semaphore, #tpu.memory_space<semaphore_mem>>) src(%arg10 : memref<128x64xf32, #tpu.memory_space<vmem>>) dst(%dma_wait3A_80 : memref<10000x64xf32, #tpu.memory_space<vmem_shared>>)
    %lt3A = arith.constant 4 : i32
    %lt3A_81 = arith.cmpi slt, %add3A, %lt3A : i32
    %convert_element_type3A = arith.extui %lt3A_81 : i1 to i32
    %cond3A = arith.constant 0 : i32
    %cond3A_82 = arith.cmpi ne, %convert_element_type3A, %cond3A : i32
    scf.if %cond3A_82 {
      %dma_start3A_93 = arith.constant 0 : i32
      %dma_start3A_94 = arith.constant 0 : i32
      %dma_start3A_95 = tpu.memref_slice %arg8[%dma_start3A_93, %dma_start3A_94] : memref<2x128xi32, #tpu.memory_space<vmem>> -> memref<1x128xi32, #tpu.memory_space<vmem>>
      %dma_start3A_96 = tpu.memref_squeeze %dma_start3A_95 : memref<1x128xi32, #tpu.memory_space<vmem>> -> memref<128xi32, #tpu.memory_space<vmem>>
      %dma_start3A_97 = arith.constant 0 : i32
      %dma_start3A_98 = arith.constant 0 : i32
      %dma_start3A_99 = tpu.memref_slice %arg12[%dma_start3A_97, %dma_start3A_98] : memref<10000x64xf32, #tpu.memory_space<vmem_shared>> -> memref<10000x64xf32, #tpu.memory_space<vmem_shared>>
      tpu.enqueue_indirect_dma source(%dma_start3A_99 : memref<10000x64xf32, #tpu.memory_space<vmem_shared>>) target(%arg9 : memref<128x64xf32, #tpu.memory_space<vmem>>) offsets(%dma_start3A_96 : memref<128xi32, #tpu.memory_space<vmem>>) semaphore(%arg13 : memref<!tpu.dma_semaphore, #tpu.memory_space<semaphore_mem>>)
      %dma_wait3A_100 = arith.constant 0 : i32
      %dma_wait3A_101 = arith.constant 0 : i32
      %dma_wait3A_102 = tpu.memref_slice %arg8[%dma_wait3A_100, %dma_wait3A_101] : memref<2x128xi32, #tpu.memory_space<vmem>> -> memref<1x128xi32, #tpu.memory_space<vmem>>
      %dma_wait3A_103 = tpu.memref_squeeze %dma_wait3A_102 : memref<1x128xi32, #tpu.memory_space<vmem>> -> memref<128xi32, #tpu.memory_space<vmem>>
      %dma_wait3A_104 = arith.constant 0 : i32
      %dma_wait3A_105 = arith.constant 0 : i32
      %dma_wait3A_106 = tpu.memref_slice %arg12[%dma_wait3A_104, %dma_wait3A_105] : memref<10000x64xf32, #tpu.memory_space<vmem_shared>> -> memref<10000x64xf32, #tpu.memory_space<vmem_shared>>
      tpu.wait_indirect_dma semaphore(%arg13 : memref<!tpu.dma_semaphore, #tpu.memory_space<semaphore_mem>>) src(%dma_wait3A_106 : memref<10000x64xf32, #tpu.memory_space<vmem_shared>>) dst(%arg9 : memref<128x64xf32, #tpu.memory_space<vmem>>)
      %dma_start3A_107 = arith.constant 1 : i32
      %dma_start3A_108 = arith.constant 0 : i32
      %dma_start3A_109 = tpu.memref_slice %arg8[%dma_start3A_107, %dma_start3A_108] : memref<2x128xi32, #tpu.memory_space<vmem>> -> memref<1x128xi32, #tpu.memory_space<vmem>>
      %dma_start3A_110 = tpu.memref_squeeze %dma_start3A_109 : memref<1x128xi32, #tpu.memory_space<vmem>> -> memref<128xi32, #tpu.memory_space<vmem>>
      %dma_start3A_111 = arith.constant 0 : i32
      %dma_start3A_112 = arith.constant 0 : i32
      %dma_start3A_113 = tpu.memref_slice %arg11[%dma_start3A_111, %dma_start3A_112] : memref<10000x64xf32, #tpu.memory_space<vmem_shared>> -> memref<10000x64xf32, #tpu.memory_space<vmem_shared>>
      tpu.enqueue_indirect_dma source(%arg9 : memref<128x64xf32, #tpu.memory_space<vmem>>) target(%dma_start3A_113 : memref<10000x64xf32, #tpu.memory_space<vmem_shared>>) offsets(%dma_start3A_110 : memref<128xi32, #tpu.memory_space<vmem>>) semaphore(%arg15 : memref<!tpu.dma_semaphore, #tpu.memory_space<semaphore_mem>>) {add = true}
      %dma_wait3A_114 = arith.constant 1 : i32
      %dma_wait3A_115 = arith.constant 0 : i32
      %dma_wait3A_116 = tpu.memref_slice %arg8[%dma_wait3A_114, %dma_wait3A_115] : memref<2x128xi32, #tpu.memory_space<vmem>> -> memref<1x128xi32, #tpu.memory_space<vmem>>
      %dma_wait3A_117 = tpu.memref_squeeze %dma_wait3A_116 : memref<1x128xi32, #tpu.memory_space<vmem>> -> memref<128xi32, #tpu.memory_space<vmem>>
      %dma_wait3A_118 = arith.constant 0 : i32
      %dma_wait3A_119 = arith.constant 0 : i32
      %dma_wait3A_120 = tpu.memref_slice %arg11[%dma_wait3A_118, %dma_wait3A_119] : memref<10000x64xf32, #tpu.memory_space<vmem_shared>> -> memref<10000x64xf32, #tpu.memory_space<vmem_shared>>
      tpu.wait_indirect_dma semaphore(%arg15 : memref<!tpu.dma_semaphore, #tpu.memory_space<semaphore_mem>>) src(%arg9 : memref<128x64xf32, #tpu.memory_space<vmem>>) dst(%dma_wait3A_120 : memref<10000x64xf32, #tpu.memory_space<vmem_shared>>)
    } else {
    }
    %barrier3A_83 = arith.constant 0 : index
    tpu.barrier barrier_id(%barrier3A_83)
    %eq3A = arith.constant 0 : i32
    %eq3A_84 = arith.cmpi eq, %arg0, %eq3A : i32
    %convert_element_type3A_85 = arith.extui %eq3A_84 : i1 to i32
    %cond3A_86 = arith.constant 0 : i32
    %cond3A_87 = arith.cmpi ne, %convert_element_type3A_85, %cond3A_86 : i32
    scf.if %cond3A_87 {
      %mul3A_93 = arith.constant 625 : i32
      %mul3A_94 = arith.muli %arg1, %mul3A_93 : i32
      %mul3A_95 = arith.constant 625 : i32
      %mul3A_96 = arith.muli %arg1, %mul3A_95 : i32
      "tpu.region"() ({
        %run_scoped3A = tpu.sem_alloc : memref<!tpu.dma_semaphore, #tpu.memory_space<semaphore_mem>>
        %dma_start3A_97 = arith.constant 0 : i32
        %dma_start3A_98 = tpu.memref_slice %arg5[%mul3A_96, %dma_start3A_97] : memref<10000x64xf32, #tpu.memory_space<hbm>> -> memref<625x64xf32, #tpu.memory_space<hbm>>
        %dma_start3A_99 = arith.constant 0 : i32
        %dma_start3A_100 = tpu.memref_slice %arg11[%mul3A_94, %dma_start3A_99] : memref<10000x64xf32, #tpu.memory_space<vmem_shared>> -> memref<625x64xf32, #tpu.memory_space<vmem_shared>>
        tpu.enqueue_dma source(%dma_start3A_100 : memref<625x64xf32, #tpu.memory_space<vmem_shared>>) target(%dma_start3A_98 : memref<625x64xf32, #tpu.memory_space<hbm>>) target_semaphore(%run_scoped3A : memref<!tpu.dma_semaphore, #tpu.memory_space<semaphore_mem>>)
        %dma_wait3A_101 = arith.constant 0 : i32
        %dma_wait3A_102 = tpu.memref_slice %arg5[%mul3A_96, %dma_wait3A_101] : memref<10000x64xf32, #tpu.memory_space<hbm>> -> memref<625x64xf32, #tpu.memory_space<hbm>>
        %dma_wait3A_103 = arith.constant 0 : i32
        %dma_wait3A_104 = tpu.memref_slice %arg11[%mul3A_94, %dma_wait3A_103] : memref<10000x64xf32, #tpu.memory_space<vmem_shared>> -> memref<625x64xf32, #tpu.memory_space<vmem_shared>>
        tpu.wait_dma2 semaphore(%run_scoped3A : memref<!tpu.dma_semaphore, #tpu.memory_space<semaphore_mem>>) src(%dma_wait3A_104 : memref<625x64xf32, #tpu.memory_space<vmem_shared>>) dst(%dma_wait3A_102 : memref<625x64xf32, #tpu.memory_space<hbm>>)
        tpu.yield
      }) : () -> ()
    } else {
    }
    %eq3A_88 = arith.constant 1 : i32
    %eq3A_89 = arith.cmpi eq, %arg0, %eq3A_88 : i32
    %convert_element_type3A_90 = arith.extui %eq3A_89 : i1 to i32
    %cond3A_91 = arith.constant 0 : i32
    %cond3A_92 = arith.cmpi ne, %convert_element_type3A_90, %cond3A_91 : i32
    scf.if %cond3A_92 {
      %mul3A_93 = arith.constant 625 : i32
      %mul3A_94 = arith.muli %arg1, %mul3A_93 : i32
      %mul3A_95 = arith.constant 625 : i32
      %mul3A_96 = arith.muli %arg1, %mul3A_95 : i32
      "tpu.region"() ({
        %run_scoped3A = tpu.sem_alloc : memref<!tpu.dma_semaphore, #tpu.memory_space<semaphore_mem>>
        %dma_start3A_97 = arith.constant 0 : i32
        %dma_start3A_98 = tpu.memref_slice %arg6[%mul3A_96, %dma_start3A_97] : memref<10000x64xf32, #tpu.memory_space<hbm>> -> memref<625x64xf32, #tpu.memory_space<hbm>>
        %dma_start3A_99 = arith.constant 0 : i32
        %dma_start3A_100 = tpu.memref_slice %arg11[%mul3A_94, %dma_start3A_99] : memref<10000x64xf32, #tpu.memory_space<vmem_shared>> -> memref<625x64xf32, #tpu.memory_space<vmem_shared>>
        tpu.enqueue_dma source(%dma_start3A_100 : memref<625x64xf32, #tpu.memory_space<vmem_shared>>) target(%dma_start3A_98 : memref<625x64xf32, #tpu.memory_space<hbm>>) target_semaphore(%run_scoped3A : memref<!tpu.dma_semaphore, #tpu.memory_space<semaphore_mem>>)
        %dma_wait3A_101 = arith.constant 0 : i32
        %dma_wait3A_102 = tpu.memref_slice %arg6[%mul3A_96, %dma_wait3A_101] : memref<10000x64xf32, #tpu.memory_space<hbm>> -> memref<625x64xf32, #tpu.memory_space<hbm>>
        %dma_wait3A_103 = arith.constant 0 : i32
        %dma_wait3A_104 = tpu.memref_slice %arg11[%mul3A_94, %dma_wait3A_103] : memref<10000x64xf32, #tpu.memory_space<vmem_shared>> -> memref<625x64xf32, #tpu.memory_space<vmem_shared>>
        tpu.wait_dma2 semaphore(%run_scoped3A : memref<!tpu.dma_semaphore, #tpu.memory_space<semaphore_mem>>) src(%dma_wait3A_104 : memref<625x64xf32, #tpu.memory_space<vmem_shared>>) dst(%dma_wait3A_102 : memref<625x64xf32, #tpu.memory_space<hbm>>)
        tpu.yield
      }) : () -> ()
    } else {
    }
    return
  }
}

#map = affine_map<(d0, d1) -> (0, 0)>
#map1 = affine_map<(d0, d1) -> (0, 0, 0)>
module attributes {stable_mosaic.version = 14 : i64} {
  func.func @body(%arg0: i32, %arg1: i32, %arg2: memref<10000x16xf32, #tpu.memory_space<hbm>>, %arg3: memref<2500x2x128xi32, #tpu.memory_space<hbm>>, %arg4: memref<10000x16xf32, #tpu.memory_space<hbm>>, %arg5: memref<10000x16xf32, #tpu.memory_space<hbm>>, %arg6: memref<10000x16xf32, #tpu.memory_space<hbm>>, %arg7: memref<78x2x128xi32, #tpu.memory_space<vmem>>, %arg8: memref<2x128xi32, #tpu.memory_space<vmem>>, %arg9: memref<128x16xf32, #tpu.memory_space<vmem>>, %arg10: memref<128x16xf32, #tpu.memory_space<vmem>>, %arg11: memref<128x16xf32, #tpu.memory_space<vmem>>, %arg12: memref<128x16xf32, #tpu.memory_space<vmem>>, %arg13: memref<10000x16xf32, #tpu.memory_space<vmem_shared>>, %arg14: memref<10000x16xf32, #tpu.memory_space<vmem_shared>>, %arg15: memref<!tpu.dma_semaphore, #tpu.memory_space<semaphore_mem>>, %arg16: memref<!tpu.dma_semaphore, #tpu.memory_space<semaphore_mem>>, %arg17: memref<!tpu.dma_semaphore, #tpu.memory_space<semaphore_mem>>, %arg18: memref<!tpu.dma_semaphore, #tpu.memory_space<semaphore_mem>>, %arg19: memref<!tpu.dma_semaphore, #tpu.memory_space<semaphore_mem>>, %arg20: memref<!tpu.dma_semaphore, #tpu.memory_space<semaphore_mem>>, %arg21: memref<!tpu.dma_semaphore, #tpu.memory_space<semaphore_mem>>, %arg22: memref<!tpu.dma_semaphore, #tpu.memory_space<semaphore_mem>>) attributes {dimension_semantics = [#tpu.dimension_semantics<core_parallel>, #tpu.dimension_semantics<subcore_parallel>], iteration_bounds = array<i64: 2, 16>, scalar_prefetch = 0 : i64, scratch_operands = 16 : i64, tpu.core_type = #tpu.core_type<sc_vector_subcore>, window_params = [{transform_indices = #map}, {transform_indices = #map1}, {transform_indices = #map}, {transform_indices = #map}, {transform_indices = #map}]} {
    %mul3A = arith.constant 16 : i32
    %mul3A_0 = arith.muli %arg0, %mul3A : i32
    %add3A = arith.addi %mul3A_0, %arg1 : i32
    %mul3A_1 = arith.constant 625 : i32
    %mul3A_2 = arith.muli %arg1, %mul3A_1 : i32
    %mul3A_3 = arith.constant 625 : i32
    %mul3A_4 = arith.muli %arg1, %mul3A_3 : i32
    "tpu.region"() ({
      %run_scoped3A = tpu.sem_alloc : memref<!tpu.dma_semaphore, #tpu.memory_space<semaphore_mem>>
      %dma_start3A_221 = arith.constant 0 : i32
      %dma_start3A_222 = tpu.memref_slice %arg13[%mul3A_4, %dma_start3A_221] : memref<10000x16xf32, #tpu.memory_space<vmem_shared>> -> memref<625x16xf32, #tpu.memory_space<vmem_shared>>
      %dma_start3A_223 = arith.constant 0 : i32
      %dma_start3A_224 = tpu.memref_slice %arg4[%mul3A_2, %dma_start3A_223] : memref<10000x16xf32, #tpu.memory_space<hbm>> -> memref<625x16xf32, #tpu.memory_space<hbm>>
      tpu.enqueue_dma source(%dma_start3A_224 : memref<625x16xf32, #tpu.memory_space<hbm>>) target(%dma_start3A_222 : memref<625x16xf32, #tpu.memory_space<vmem_shared>>) target_semaphore(%run_scoped3A : memref<!tpu.dma_semaphore, #tpu.memory_space<semaphore_mem>>)
      %dma_wait3A_225 = arith.constant 0 : i32
      %dma_wait3A_226 = tpu.memref_slice %arg13[%mul3A_4, %dma_wait3A_225] : memref<10000x16xf32, #tpu.memory_space<vmem_shared>> -> memref<625x16xf32, #tpu.memory_space<vmem_shared>>
      %dma_wait3A_227 = arith.constant 0 : i32
      %dma_wait3A_228 = tpu.memref_slice %arg4[%mul3A_2, %dma_wait3A_227] : memref<10000x16xf32, #tpu.memory_space<hbm>> -> memref<625x16xf32, #tpu.memory_space<hbm>>
      tpu.wait_dma2 semaphore(%run_scoped3A : memref<!tpu.dma_semaphore, #tpu.memory_space<semaphore_mem>>) src(%dma_wait3A_228 : memref<625x16xf32, #tpu.memory_space<hbm>>) dst(%dma_wait3A_226 : memref<625x16xf32, #tpu.memory_space<vmem_shared>>)
      tpu.yield
    }) : () -> ()
    %mul3A_5 = arith.constant 625 : i32
    %mul3A_6 = arith.muli %arg1, %mul3A_5 : i32
    %mul3A_7 = arith.constant 625 : i32
    %mul3A_8 = arith.muli %arg1, %mul3A_7 : i32
    "tpu.region"() ({
      %run_scoped3A = tpu.sem_alloc : memref<!tpu.dma_semaphore, #tpu.memory_space<semaphore_mem>>
      %dma_start3A_221 = arith.constant 0 : i32
      %dma_start3A_222 = tpu.memref_slice %arg14[%mul3A_8, %dma_start3A_221] : memref<10000x16xf32, #tpu.memory_space<vmem_shared>> -> memref<625x16xf32, #tpu.memory_space<vmem_shared>>
      %dma_start3A_223 = arith.constant 0 : i32
      %dma_start3A_224 = tpu.memref_slice %arg2[%mul3A_6, %dma_start3A_223] : memref<10000x16xf32, #tpu.memory_space<hbm>> -> memref<625x16xf32, #tpu.memory_space<hbm>>
      tpu.enqueue_dma source(%dma_start3A_224 : memref<625x16xf32, #tpu.memory_space<hbm>>) target(%dma_start3A_222 : memref<625x16xf32, #tpu.memory_space<vmem_shared>>) target_semaphore(%run_scoped3A : memref<!tpu.dma_semaphore, #tpu.memory_space<semaphore_mem>>)
      %dma_wait3A_225 = arith.constant 0 : i32
      %dma_wait3A_226 = tpu.memref_slice %arg14[%mul3A_8, %dma_wait3A_225] : memref<10000x16xf32, #tpu.memory_space<vmem_shared>> -> memref<625x16xf32, #tpu.memory_space<vmem_shared>>
      %dma_wait3A_227 = arith.constant 0 : i32
      %dma_wait3A_228 = tpu.memref_slice %arg2[%mul3A_6, %dma_wait3A_227] : memref<10000x16xf32, #tpu.memory_space<hbm>> -> memref<625x16xf32, #tpu.memory_space<hbm>>
      tpu.wait_dma2 semaphore(%run_scoped3A : memref<!tpu.dma_semaphore, #tpu.memory_space<semaphore_mem>>) src(%dma_wait3A_228 : memref<625x16xf32, #tpu.memory_space<hbm>>) dst(%dma_wait3A_226 : memref<625x16xf32, #tpu.memory_space<vmem_shared>>)
      tpu.yield
    }) : () -> ()
    %mul3A_9 = arith.constant 78 : i32
    %mul3A_10 = arith.muli %add3A, %mul3A_9 : i32
    "tpu.region"() ({
      %run_scoped3A = tpu.sem_alloc : memref<!tpu.dma_semaphore, #tpu.memory_space<semaphore_mem>>
      %dma_start3A_221 = arith.constant 0 : i32
      %dma_start3A_222 = arith.constant 0 : i32
      %dma_start3A_223 = tpu.memref_slice %arg3[%mul3A_10, %dma_start3A_221, %dma_start3A_222] : memref<2500x2x128xi32, #tpu.memory_space<hbm>> -> memref<78x2x128xi32, #tpu.memory_space<hbm>>
      %dma_start3A_224 = arith.constant 0 : i32
      %dma_start3A_225 = arith.constant 0 : i32
      %dma_start3A_226 = tpu.memref_slice %arg3[%mul3A_10, %dma_start3A_224, %dma_start3A_225] : memref<2500x2x128xi32, #tpu.memory_space<hbm>> -> memref<78x2x128xi32, #tpu.memory_space<hbm>>
      tpu.enqueue_dma source(%dma_start3A_226 : memref<78x2x128xi32, #tpu.memory_space<hbm>>) target(%arg7 : memref<78x2x128xi32, #tpu.memory_space<vmem>>) target_semaphore(%run_scoped3A : memref<!tpu.dma_semaphore, #tpu.memory_space<semaphore_mem>>)
      %dma_wait3A_227 = arith.constant 0 : i32
      %dma_wait3A_228 = arith.constant 0 : i32
      %dma_wait3A_229 = tpu.memref_slice %arg3[%mul3A_10, %dma_wait3A_227, %dma_wait3A_228] : memref<2500x2x128xi32, #tpu.memory_space<hbm>> -> memref<78x2x128xi32, #tpu.memory_space<hbm>>
      %dma_wait3A_230 = arith.constant 0 : i32
      %dma_wait3A_231 = arith.constant 0 : i32
      %dma_wait3A_232 = tpu.memref_slice %arg3[%mul3A_10, %dma_wait3A_230, %dma_wait3A_231] : memref<2500x2x128xi32, #tpu.memory_space<hbm>> -> memref<78x2x128xi32, #tpu.memory_space<hbm>>
      tpu.wait_dma2 semaphore(%run_scoped3A : memref<!tpu.dma_semaphore, #tpu.memory_space<semaphore_mem>>) src(%dma_wait3A_232 : memref<78x2x128xi32, #tpu.memory_space<hbm>>) dst(%arg7 : memref<78x2x128xi32, #tpu.memory_space<vmem>>)
      tpu.yield
    }) : () -> ()
    %min3A = arith.constant 3 : i32
    %min3A_11 = arith.minsi %add3A, %min3A : i32
    %add3A_12 = arith.constant 2496 : i32
    %add3A_13 = arith.addi %add3A_12, %min3A_11 : i32
    "tpu.region"() ({
      %run_scoped3A = tpu.sem_alloc : memref<!tpu.dma_semaphore, #tpu.memory_space<semaphore_mem>>
      %dma_start3A_221 = arith.constant 0 : i32
      %dma_start3A_222 = arith.constant 0 : i32
      %dma_start3A_223 = tpu.memref_slice %arg3[%add3A_13, %dma_start3A_221, %dma_start3A_222] : memref<2500x2x128xi32, #tpu.memory_space<hbm>> -> memref<1x2x128xi32, #tpu.memory_space<hbm>>
      %dma_start3A_224 = tpu.memref_squeeze %dma_start3A_223 : memref<1x2x128xi32, #tpu.memory_space<hbm>> -> memref<2x128xi32, #tpu.memory_space<hbm>>
      %dma_start3A_225 = arith.constant 0 : i32
      %dma_start3A_226 = arith.constant 0 : i32
      %dma_start3A_227 = tpu.memref_slice %arg3[%add3A_13, %dma_start3A_225, %dma_start3A_226] : memref<2500x2x128xi32, #tpu.memory_space<hbm>> -> memref<1x2x128xi32, #tpu.memory_space<hbm>>
      %dma_start3A_228 = tpu.memref_squeeze %dma_start3A_227 : memref<1x2x128xi32, #tpu.memory_space<hbm>> -> memref<2x128xi32, #tpu.memory_space<hbm>>
      tpu.enqueue_dma source(%dma_start3A_228 : memref<2x128xi32, #tpu.memory_space<hbm>>) target(%arg8 : memref<2x128xi32, #tpu.memory_space<vmem>>) target_semaphore(%run_scoped3A : memref<!tpu.dma_semaphore, #tpu.memory_space<semaphore_mem>>)
      %dma_wait3A_229 = arith.constant 0 : i32
      %dma_wait3A_230 = arith.constant 0 : i32
      %dma_wait3A_231 = tpu.memref_slice %arg3[%add3A_13, %dma_wait3A_229, %dma_wait3A_230] : memref<2500x2x128xi32, #tpu.memory_space<hbm>> -> memref<1x2x128xi32, #tpu.memory_space<hbm>>
      %dma_wait3A_232 = tpu.memref_squeeze %dma_wait3A_231 : memref<1x2x128xi32, #tpu.memory_space<hbm>> -> memref<2x128xi32, #tpu.memory_space<hbm>>
      %dma_wait3A_233 = arith.constant 0 : i32
      %dma_wait3A_234 = arith.constant 0 : i32
      %dma_wait3A_235 = tpu.memref_slice %arg3[%add3A_13, %dma_wait3A_233, %dma_wait3A_234] : memref<2500x2x128xi32, #tpu.memory_space<hbm>> -> memref<1x2x128xi32, #tpu.memory_space<hbm>>
      %dma_wait3A_236 = tpu.memref_squeeze %dma_wait3A_235 : memref<1x2x128xi32, #tpu.memory_space<hbm>> -> memref<2x128xi32, #tpu.memory_space<hbm>>
      tpu.wait_dma2 semaphore(%run_scoped3A : memref<!tpu.dma_semaphore, #tpu.memory_space<semaphore_mem>>) src(%dma_wait3A_236 : memref<2x128xi32, #tpu.memory_space<hbm>>) dst(%arg8 : memref<2x128xi32, #tpu.memory_space<vmem>>)
      tpu.yield
    }) : () -> ()
    %barrier3A = arith.constant 0 : index
    tpu.barrier barrier_id(%barrier3A)
    %dma_start3A = arith.constant 0 : i32
    %dma_start3A_14 = arith.constant 0 : i32
    %dma_start3A_15 = arith.constant 0 : i32
    %dma_start3A_16 = tpu.memref_slice %arg7[%dma_start3A, %dma_start3A_14, %dma_start3A_15] : memref<78x2x128xi32, #tpu.memory_space<vmem>> -> memref<1x1x128xi32, #tpu.memory_space<vmem>>
    %dma_start3A_17 = tpu.memref_squeeze %dma_start3A_16 : memref<1x1x128xi32, #tpu.memory_space<vmem>> -> memref<128xi32, #tpu.memory_space<vmem>>
    %dma_start3A_18 = arith.constant 0 : i32
    %dma_start3A_19 = arith.constant 0 : i32
    %dma_start3A_20 = tpu.memref_slice %arg14[%dma_start3A_18, %dma_start3A_19] : memref<10000x16xf32, #tpu.memory_space<vmem_shared>> -> memref<10000x16xf32, #tpu.memory_space<vmem_shared>>
    tpu.enqueue_indirect_dma source(%dma_start3A_20 : memref<10000x16xf32, #tpu.memory_space<vmem_shared>>) target(%arg9 : memref<128x16xf32, #tpu.memory_space<vmem>>) offsets(%dma_start3A_17 : memref<128xi32, #tpu.memory_space<vmem>>) semaphore(%arg15 : memref<!tpu.dma_semaphore, #tpu.memory_space<semaphore_mem>>)
    %dma_start3A_21 = arith.constant 1 : i32
    %dma_start3A_22 = arith.constant 0 : i32
    %dma_start3A_23 = arith.constant 0 : i32
    %dma_start3A_24 = tpu.memref_slice %arg7[%dma_start3A_21, %dma_start3A_22, %dma_start3A_23] : memref<78x2x128xi32, #tpu.memory_space<vmem>> -> memref<1x1x128xi32, #tpu.memory_space<vmem>>
    %dma_start3A_25 = tpu.memref_squeeze %dma_start3A_24 : memref<1x1x128xi32, #tpu.memory_space<vmem>> -> memref<128xi32, #tpu.memory_space<vmem>>
    %dma_start3A_26 = arith.constant 0 : i32
    %dma_start3A_27 = arith.constant 0 : i32
    %dma_start3A_28 = tpu.memref_slice %arg14[%dma_start3A_26, %dma_start3A_27] : memref<10000x16xf32, #tpu.memory_space<vmem_shared>> -> memref<10000x16xf32, #tpu.memory_space<vmem_shared>>
    tpu.enqueue_indirect_dma source(%dma_start3A_28 : memref<10000x16xf32, #tpu.memory_space<vmem_shared>>) target(%arg10 : memref<128x16xf32, #tpu.memory_space<vmem>>) offsets(%dma_start3A_25 : memref<128xi32, #tpu.memory_space<vmem>>) semaphore(%arg16 : memref<!tpu.dma_semaphore, #tpu.memory_space<semaphore_mem>>)
    %dma_start3A_29 = arith.constant 2 : i32
    %dma_start3A_30 = arith.constant 0 : i32
    %dma_start3A_31 = arith.constant 0 : i32
    %dma_start3A_32 = tpu.memref_slice %arg7[%dma_start3A_29, %dma_start3A_30, %dma_start3A_31] : memref<78x2x128xi32, #tpu.memory_space<vmem>> -> memref<1x1x128xi32, #tpu.memory_space<vmem>>
    %dma_start3A_33 = tpu.memref_squeeze %dma_start3A_32 : memref<1x1x128xi32, #tpu.memory_space<vmem>> -> memref<128xi32, #tpu.memory_space<vmem>>
    %dma_start3A_34 = arith.constant 0 : i32
    %dma_start3A_35 = arith.constant 0 : i32
    %dma_start3A_36 = tpu.memref_slice %arg14[%dma_start3A_34, %dma_start3A_35] : memref<10000x16xf32, #tpu.memory_space<vmem_shared>> -> memref<10000x16xf32, #tpu.memory_space<vmem_shared>>
    tpu.enqueue_indirect_dma source(%dma_start3A_36 : memref<10000x16xf32, #tpu.memory_space<vmem_shared>>) target(%arg11 : memref<128x16xf32, #tpu.memory_space<vmem>>) offsets(%dma_start3A_33 : memref<128xi32, #tpu.memory_space<vmem>>) semaphore(%arg17 : memref<!tpu.dma_semaphore, #tpu.memory_space<semaphore_mem>>)
    %dma_start3A_37 = arith.constant 3 : i32
    %dma_start3A_38 = arith.constant 0 : i32
    %dma_start3A_39 = arith.constant 0 : i32
    %dma_start3A_40 = tpu.memref_slice %arg7[%dma_start3A_37, %dma_start3A_38, %dma_start3A_39] : memref<78x2x128xi32, #tpu.memory_space<vmem>> -> memref<1x1x128xi32, #tpu.memory_space<vmem>>
    %dma_start3A_41 = tpu.memref_squeeze %dma_start3A_40 : memref<1x1x128xi32, #tpu.memory_space<vmem>> -> memref<128xi32, #tpu.memory_space<vmem>>
    %dma_start3A_42 = arith.constant 0 : i32
    %dma_start3A_43 = arith.constant 0 : i32
    %dma_start3A_44 = tpu.memref_slice %arg14[%dma_start3A_42, %dma_start3A_43] : memref<10000x16xf32, #tpu.memory_space<vmem_shared>> -> memref<10000x16xf32, #tpu.memory_space<vmem_shared>>
    tpu.enqueue_indirect_dma source(%dma_start3A_44 : memref<10000x16xf32, #tpu.memory_space<vmem_shared>>) target(%arg12 : memref<128x16xf32, #tpu.memory_space<vmem>>) offsets(%dma_start3A_41 : memref<128xi32, #tpu.memory_space<vmem>>) semaphore(%arg18 : memref<!tpu.dma_semaphore, #tpu.memory_space<semaphore_mem>>)
    %scan3A = arith.constant 0 : i32
    %scan3A_45 = arith.constant 0 : i32
    %scan3A_46 = arith.constant 18 : i32
    %scan3A_47 = arith.addi %scan3A_45, %scan3A_46 : i32
    %scan3A_48 = arith.constant 1 : i32
    scf.for %scan3A_221 = %scan3A_45 to %scan3A_47 step %scan3A_48  : i32 {
      %mul3A_222 = arith.constant 4 : i32
      %mul3A_223 = arith.muli %mul3A_222, %scan3A_221 : i32
      %add3A_224 = arith.constant 0 : i32
      %add3A_225 = arith.addi %mul3A_223, %add3A_224 : i32
      %dma_wait3A_226 = arith.constant 0 : i32
      %dma_wait3A_227 = arith.constant 0 : i32
      %dma_wait3A_228 = tpu.memref_slice %arg7[%add3A_225, %dma_wait3A_226, %dma_wait3A_227] : memref<78x2x128xi32, #tpu.memory_space<vmem>> -> memref<1x1x128xi32, #tpu.memory_space<vmem>>
      %dma_wait3A_229 = tpu.memref_squeeze %dma_wait3A_228 : memref<1x1x128xi32, #tpu.memory_space<vmem>> -> memref<128xi32, #tpu.memory_space<vmem>>
      %dma_wait3A_230 = arith.constant 0 : i32
      %dma_wait3A_231 = arith.constant 0 : i32
      %dma_wait3A_232 = tpu.memref_slice %arg14[%dma_wait3A_230, %dma_wait3A_231] : memref<10000x16xf32, #tpu.memory_space<vmem_shared>> -> memref<10000x16xf32, #tpu.memory_space<vmem_shared>>
      tpu.wait_indirect_dma semaphore(%arg15 : memref<!tpu.dma_semaphore, #tpu.memory_space<semaphore_mem>>) src(%dma_wait3A_232 : memref<10000x16xf32, #tpu.memory_space<vmem_shared>>) dst(%arg9 : memref<128x16xf32, #tpu.memory_space<vmem>>)
      %add3A_233 = arith.constant 0 : i32
      %add3A_234 = arith.addi %mul3A_223, %add3A_233 : i32
      %dma_start3A_235 = arith.constant 1 : i32
      %dma_start3A_236 = arith.constant 0 : i32
      %dma_start3A_237 = tpu.memref_slice %arg7[%add3A_234, %dma_start3A_235, %dma_start3A_236] : memref<78x2x128xi32, #tpu.memory_space<vmem>> -> memref<1x1x128xi32, #tpu.memory_space<vmem>>
      %dma_start3A_238 = tpu.memref_squeeze %dma_start3A_237 : memref<1x1x128xi32, #tpu.memory_space<vmem>> -> memref<128xi32, #tpu.memory_space<vmem>>
      %dma_start3A_239 = arith.constant 0 : i32
      %dma_start3A_240 = arith.constant 0 : i32
      %dma_start3A_241 = tpu.memref_slice %arg13[%dma_start3A_239, %dma_start3A_240] : memref<10000x16xf32, #tpu.memory_space<vmem_shared>> -> memref<10000x16xf32, #tpu.memory_space<vmem_shared>>
      tpu.enqueue_indirect_dma source(%arg9 : memref<128x16xf32, #tpu.memory_space<vmem>>) target(%dma_start3A_241 : memref<10000x16xf32, #tpu.memory_space<vmem_shared>>) offsets(%dma_start3A_238 : memref<128xi32, #tpu.memory_space<vmem>>) semaphore(%arg19 : memref<!tpu.dma_semaphore, #tpu.memory_space<semaphore_mem>>) {add = true}
      %add3A_242 = arith.constant 1 : i32
      %add3A_243 = arith.addi %mul3A_223, %add3A_242 : i32
      %dma_wait3A_244 = arith.constant 0 : i32
      %dma_wait3A_245 = arith.constant 0 : i32
      %dma_wait3A_246 = tpu.memref_slice %arg7[%add3A_243, %dma_wait3A_244, %dma_wait3A_245] : memref<78x2x128xi32, #tpu.memory_space<vmem>> -> memref<1x1x128xi32, #tpu.memory_space<vmem>>
      %dma_wait3A_247 = tpu.memref_squeeze %dma_wait3A_246 : memref<1x1x128xi32, #tpu.memory_space<vmem>> -> memref<128xi32, #tpu.memory_space<vmem>>
      %dma_wait3A_248 = arith.constant 0 : i32
      %dma_wait3A_249 = arith.constant 0 : i32
      %dma_wait3A_250 = tpu.memref_slice %arg14[%dma_wait3A_248, %dma_wait3A_249] : memref<10000x16xf32, #tpu.memory_space<vmem_shared>> -> memref<10000x16xf32, #tpu.memory_space<vmem_shared>>
      tpu.wait_indirect_dma semaphore(%arg16 : memref<!tpu.dma_semaphore, #tpu.memory_space<semaphore_mem>>) src(%dma_wait3A_250 : memref<10000x16xf32, #tpu.memory_space<vmem_shared>>) dst(%arg10 : memref<128x16xf32, #tpu.memory_space<vmem>>)
      %add3A_251 = arith.constant 1 : i32
      %add3A_252 = arith.addi %mul3A_223, %add3A_251 : i32
      %dma_start3A_253 = arith.constant 1 : i32
      %dma_start3A_254 = arith.constant 0 : i32
      %dma_start3A_255 = tpu.memref_slice %arg7[%add3A_252, %dma_start3A_253, %dma_start3A_254] : memref<78x2x128xi32, #tpu.memory_space<vmem>> -> memref<1x1x128xi32, #tpu.memory_space<vmem>>
      %dma_start3A_256 = tpu.memref_squeeze %dma_start3A_255 : memref<1x1x128xi32, #tpu.memory_space<vmem>> -> memref<128xi32, #tpu.memory_space<vmem>>
      %dma_start3A_257 = arith.constant 0 : i32
      %dma_start3A_258 = arith.constant 0 : i32
      %dma_start3A_259 = tpu.memref_slice %arg13[%dma_start3A_257, %dma_start3A_258] : memref<10000x16xf32, #tpu.memory_space<vmem_shared>> -> memref<10000x16xf32, #tpu.memory_space<vmem_shared>>
      tpu.enqueue_indirect_dma source(%arg10 : memref<128x16xf32, #tpu.memory_space<vmem>>) target(%dma_start3A_259 : memref<10000x16xf32, #tpu.memory_space<vmem_shared>>) offsets(%dma_start3A_256 : memref<128xi32, #tpu.memory_space<vmem>>) semaphore(%arg20 : memref<!tpu.dma_semaphore, #tpu.memory_space<semaphore_mem>>) {add = true}
      %add3A_260 = arith.constant 2 : i32
      %add3A_261 = arith.addi %mul3A_223, %add3A_260 : i32
      %dma_wait3A_262 = arith.constant 0 : i32
      %dma_wait3A_263 = arith.constant 0 : i32
      %dma_wait3A_264 = tpu.memref_slice %arg7[%add3A_261, %dma_wait3A_262, %dma_wait3A_263] : memref<78x2x128xi32, #tpu.memory_space<vmem>> -> memref<1x1x128xi32, #tpu.memory_space<vmem>>
      %dma_wait3A_265 = tpu.memref_squeeze %dma_wait3A_264 : memref<1x1x128xi32, #tpu.memory_space<vmem>> -> memref<128xi32, #tpu.memory_space<vmem>>
      %dma_wait3A_266 = arith.constant 0 : i32
      %dma_wait3A_267 = arith.constant 0 : i32
      %dma_wait3A_268 = tpu.memref_slice %arg14[%dma_wait3A_266, %dma_wait3A_267] : memref<10000x16xf32, #tpu.memory_space<vmem_shared>> -> memref<10000x16xf32, #tpu.memory_space<vmem_shared>>
      tpu.wait_indirect_dma semaphore(%arg17 : memref<!tpu.dma_semaphore, #tpu.memory_space<semaphore_mem>>) src(%dma_wait3A_268 : memref<10000x16xf32, #tpu.memory_space<vmem_shared>>) dst(%arg11 : memref<128x16xf32, #tpu.memory_space<vmem>>)
      %add3A_269 = arith.constant 2 : i32
      %add3A_270 = arith.addi %mul3A_223, %add3A_269 : i32
      %dma_start3A_271 = arith.constant 1 : i32
      %dma_start3A_272 = arith.constant 0 : i32
      %dma_start3A_273 = tpu.memref_slice %arg7[%add3A_270, %dma_start3A_271, %dma_start3A_272] : memref<78x2x128xi32, #tpu.memory_space<vmem>> -> memref<1x1x128xi32, #tpu.memory_space<vmem>>
      %dma_start3A_274 = tpu.memref_squeeze %dma_start3A_273 : memref<1x1x128xi32, #tpu.memory_space<vmem>> -> memref<128xi32, #tpu.memory_space<vmem>>
      %dma_start3A_275 = arith.constant 0 : i32
      %dma_start3A_276 = arith.constant 0 : i32
      %dma_start3A_277 = tpu.memref_slice %arg13[%dma_start3A_275, %dma_start3A_276] : memref<10000x16xf32, #tpu.memory_space<vmem_shared>> -> memref<10000x16xf32, #tpu.memory_space<vmem_shared>>
      tpu.enqueue_indirect_dma source(%arg11 : memref<128x16xf32, #tpu.memory_space<vmem>>) target(%dma_start3A_277 : memref<10000x16xf32, #tpu.memory_space<vmem_shared>>) offsets(%dma_start3A_274 : memref<128xi32, #tpu.memory_space<vmem>>) semaphore(%arg21 : memref<!tpu.dma_semaphore, #tpu.memory_space<semaphore_mem>>) {add = true}
      %add3A_278 = arith.constant 3 : i32
      %add3A_279 = arith.addi %mul3A_223, %add3A_278 : i32
      %dma_wait3A_280 = arith.constant 0 : i32
      %dma_wait3A_281 = arith.constant 0 : i32
      %dma_wait3A_282 = tpu.memref_slice %arg7[%add3A_279, %dma_wait3A_280, %dma_wait3A_281] : memref<78x2x128xi32, #tpu.memory_space<vmem>> -> memref<1x1x128xi32, #tpu.memory_space<vmem>>
      %dma_wait3A_283 = tpu.memref_squeeze %dma_wait3A_282 : memref<1x1x128xi32, #tpu.memory_space<vmem>> -> memref<128xi32, #tpu.memory_space<vmem>>
      %dma_wait3A_284 = arith.constant 0 : i32
      %dma_wait3A_285 = arith.constant 0 : i32
      %dma_wait3A_286 = tpu.memref_slice %arg14[%dma_wait3A_284, %dma_wait3A_285] : memref<10000x16xf32, #tpu.memory_space<vmem_shared>> -> memref<10000x16xf32, #tpu.memory_space<vmem_shared>>
      tpu.wait_indirect_dma semaphore(%arg18 : memref<!tpu.dma_semaphore, #tpu.memory_space<semaphore_mem>>) src(%dma_wait3A_286 : memref<10000x16xf32, #tpu.memory_space<vmem_shared>>) dst(%arg12 : memref<128x16xf32, #tpu.memory_space<vmem>>)
      %add3A_287 = arith.constant 3 : i32
      %add3A_288 = arith.addi %mul3A_223, %add3A_287 : i32
      %dma_start3A_289 = arith.constant 1 : i32
      %dma_start3A_290 = arith.constant 0 : i32
      %dma_start3A_291 = tpu.memref_slice %arg7[%add3A_288, %dma_start3A_289, %dma_start3A_290] : memref<78x2x128xi32, #tpu.memory_space<vmem>> -> memref<1x1x128xi32, #tpu.memory_space<vmem>>
      %dma_start3A_292 = tpu.memref_squeeze %dma_start3A_291 : memref<1x1x128xi32, #tpu.memory_space<vmem>> -> memref<128xi32, #tpu.memory_space<vmem>>
      %dma_start3A_293 = arith.constant 0 : i32
      %dma_start3A_294 = arith.constant 0 : i32
      %dma_start3A_295 = tpu.memref_slice %arg13[%dma_start3A_293, %dma_start3A_294] : memref<10000x16xf32, #tpu.memory_space<vmem_shared>> -> memref<10000x16xf32, #tpu.memory_space<vmem_shared>>
      tpu.enqueue_indirect_dma source(%arg12 : memref<128x16xf32, #tpu.memory_space<vmem>>) target(%dma_start3A_295 : memref<10000x16xf32, #tpu.memory_space<vmem_shared>>) offsets(%dma_start3A_292 : memref<128xi32, #tpu.memory_space<vmem>>) semaphore(%arg22 : memref<!tpu.dma_semaphore, #tpu.memory_space<semaphore_mem>>) {add = true}
      %add3A_296 = arith.constant 0 : i32
      %add3A_297 = arith.addi %mul3A_223, %add3A_296 : i32
      %dma_wait3A_298 = arith.constant 1 : i32
      %dma_wait3A_299 = arith.constant 0 : i32
      %dma_wait3A_300 = tpu.memref_slice %arg7[%add3A_297, %dma_wait3A_298, %dma_wait3A_299] : memref<78x2x128xi32, #tpu.memory_space<vmem>> -> memref<1x1x128xi32, #tpu.memory_space<vmem>>
      %dma_wait3A_301 = tpu.memref_squeeze %dma_wait3A_300 : memref<1x1x128xi32, #tpu.memory_space<vmem>> -> memref<128xi32, #tpu.memory_space<vmem>>
      %dma_wait3A_302 = arith.constant 0 : i32
      %dma_wait3A_303 = arith.constant 0 : i32
      %dma_wait3A_304 = tpu.memref_slice %arg13[%dma_wait3A_302, %dma_wait3A_303] : memref<10000x16xf32, #tpu.memory_space<vmem_shared>> -> memref<10000x16xf32, #tpu.memory_space<vmem_shared>>
      tpu.wait_indirect_dma semaphore(%arg19 : memref<!tpu.dma_semaphore, #tpu.memory_space<semaphore_mem>>) src(%arg9 : memref<128x16xf32, #tpu.memory_space<vmem>>) dst(%dma_wait3A_304 : memref<10000x16xf32, #tpu.memory_space<vmem_shared>>)
      %add3A_305 = arith.constant 4 : i32
      %add3A_306 = arith.addi %mul3A_223, %add3A_305 : i32
      %add3A_307 = arith.constant 0 : i32
      %add3A_308 = arith.addi %add3A_306, %add3A_307 : i32
      %dma_start3A_309 = arith.constant 0 : i32
      %dma_start3A_310 = arith.constant 0 : i32
      %dma_start3A_311 = tpu.memref_slice %arg7[%add3A_308, %dma_start3A_309, %dma_start3A_310] : memref<78x2x128xi32, #tpu.memory_space<vmem>> -> memref<1x1x128xi32, #tpu.memory_space<vmem>>
      %dma_start3A_312 = tpu.memref_squeeze %dma_start3A_311 : memref<1x1x128xi32, #tpu.memory_space<vmem>> -> memref<128xi32, #tpu.memory_space<vmem>>
      %dma_start3A_313 = arith.constant 0 : i32
      %dma_start3A_314 = arith.constant 0 : i32
      %dma_start3A_315 = tpu.memref_slice %arg14[%dma_start3A_313, %dma_start3A_314] : memref<10000x16xf32, #tpu.memory_space<vmem_shared>> -> memref<10000x16xf32, #tpu.memory_space<vmem_shared>>
      tpu.enqueue_indirect_dma source(%dma_start3A_315 : memref<10000x16xf32, #tpu.memory_space<vmem_shared>>) target(%arg9 : memref<128x16xf32, #tpu.memory_space<vmem>>) offsets(%dma_start3A_312 : memref<128xi32, #tpu.memory_space<vmem>>) semaphore(%arg15 : memref<!tpu.dma_semaphore, #tpu.memory_space<semaphore_mem>>)
      %add3A_316 = arith.constant 1 : i32
      %add3A_317 = arith.addi %mul3A_223, %add3A_316 : i32
      %dma_wait3A_318 = arith.constant 1 : i32
      %dma_wait3A_319 = arith.constant 0 : i32
      %dma_wait3A_320 = tpu.memref_slice %arg7[%add3A_317, %dma_wait3A_318, %dma_wait3A_319] : memref<78x2x128xi32, #tpu.memory_space<vmem>> -> memref<1x1x128xi32, #tpu.memory_space<vmem>>
      %dma_wait3A_321 = tpu.memref_squeeze %dma_wait3A_320 : memref<1x1x128xi32, #tpu.memory_space<vmem>> -> memref<128xi32, #tpu.memory_space<vmem>>
      %dma_wait3A_322 = arith.constant 0 : i32
      %dma_wait3A_323 = arith.constant 0 : i32
      %dma_wait3A_324 = tpu.memref_slice %arg13[%dma_wait3A_322, %dma_wait3A_323] : memref<10000x16xf32, #tpu.memory_space<vmem_shared>> -> memref<10000x16xf32, #tpu.memory_space<vmem_shared>>
      tpu.wait_indirect_dma semaphore(%arg20 : memref<!tpu.dma_semaphore, #tpu.memory_space<semaphore_mem>>) src(%arg10 : memref<128x16xf32, #tpu.memory_space<vmem>>) dst(%dma_wait3A_324 : memref<10000x16xf32, #tpu.memory_space<vmem_shared>>)
      %add3A_325 = arith.constant 4 : i32
      %add3A_326 = arith.addi %mul3A_223, %add3A_325 : i32
      %add3A_327 = arith.constant 1 : i32
      %add3A_328 = arith.addi %add3A_326, %add3A_327 : i32
      %dma_start3A_329 = arith.constant 0 : i32
      %dma_start3A_330 = arith.constant 0 : i32
      %dma_start3A_331 = tpu.memref_slice %arg7[%add3A_328, %dma_start3A_329, %dma_start3A_330] : memref<78x2x128xi32, #tpu.memory_space<vmem>> -> memref<1x1x128xi32, #tpu.memory_space<vmem>>
      %dma_start3A_332 = tpu.memref_squeeze %dma_start3A_331 : memref<1x1x128xi32, #tpu.memory_space<vmem>> -> memref<128xi32, #tpu.memory_space<vmem>>
      %dma_start3A_333 = arith.constant 0 : i32
      %dma_start3A_334 = arith.constant 0 : i32
      %dma_start3A_335 = tpu.memref_slice %arg14[%dma_start3A_333, %dma_start3A_334] : memref<10000x16xf32, #tpu.memory_space<vmem_shared>> -> memref<10000x16xf32, #tpu.memory_space<vmem_shared>>
      tpu.enqueue_indirect_dma source(%dma_start3A_335 : memref<10000x16xf32, #tpu.memory_space<vmem_shared>>) target(%arg10 : memref<128x16xf32, #tpu.memory_space<vmem>>) offsets(%dma_start3A_332 : memref<128xi32, #tpu.memory_space<vmem>>) semaphore(%arg16 : memref<!tpu.dma_semaphore, #tpu.memory_space<semaphore_mem>>)
      %add3A_336 = arith.constant 2 : i32
      %add3A_337 = arith.addi %mul3A_223, %add3A_336 : i32
      %dma_wait3A_338 = arith.constant 1 : i32
      %dma_wait3A_339 = arith.constant 0 : i32
      %dma_wait3A_340 = tpu.memref_slice %arg7[%add3A_337, %dma_wait3A_338, %dma_wait3A_339] : memref<78x2x128xi32, #tpu.memory_space<vmem>> -> memref<1x1x128xi32, #tpu.memory_space<vmem>>
      %dma_wait3A_341 = tpu.memref_squeeze %dma_wait3A_340 : memref<1x1x128xi32, #tpu.memory_space<vmem>> -> memref<128xi32, #tpu.memory_space<vmem>>
      %dma_wait3A_342 = arith.constant 0 : i32
      %dma_wait3A_343 = arith.constant 0 : i32
      %dma_wait3A_344 = tpu.memref_slice %arg13[%dma_wait3A_342, %dma_wait3A_343] : memref<10000x16xf32, #tpu.memory_space<vmem_shared>> -> memref<10000x16xf32, #tpu.memory_space<vmem_shared>>
      tpu.wait_indirect_dma semaphore(%arg21 : memref<!tpu.dma_semaphore, #tpu.memory_space<semaphore_mem>>) src(%arg11 : memref<128x16xf32, #tpu.memory_space<vmem>>) dst(%dma_wait3A_344 : memref<10000x16xf32, #tpu.memory_space<vmem_shared>>)
      %add3A_345 = arith.constant 4 : i32
      %add3A_346 = arith.addi %mul3A_223, %add3A_345 : i32
      %add3A_347 = arith.constant 2 : i32
      %add3A_348 = arith.addi %add3A_346, %add3A_347 : i32
      %dma_start3A_349 = arith.constant 0 : i32
      %dma_start3A_350 = arith.constant 0 : i32
      %dma_start3A_351 = tpu.memref_slice %arg7[%add3A_348, %dma_start3A_349, %dma_start3A_350] : memref<78x2x128xi32, #tpu.memory_space<vmem>> -> memref<1x1x128xi32, #tpu.memory_space<vmem>>
      %dma_start3A_352 = tpu.memref_squeeze %dma_start3A_351 : memref<1x1x128xi32, #tpu.memory_space<vmem>> -> memref<128xi32, #tpu.memory_space<vmem>>
      %dma_start3A_353 = arith.constant 0 : i32
      %dma_start3A_354 = arith.constant 0 : i32
      %dma_start3A_355 = tpu.memref_slice %arg14[%dma_start3A_353, %dma_start3A_354] : memref<10000x16xf32, #tpu.memory_space<vmem_shared>> -> memref<10000x16xf32, #tpu.memory_space<vmem_shared>>
      tpu.enqueue_indirect_dma source(%dma_start3A_355 : memref<10000x16xf32, #tpu.memory_space<vmem_shared>>) target(%arg11 : memref<128x16xf32, #tpu.memory_space<vmem>>) offsets(%dma_start3A_352 : memref<128xi32, #tpu.memory_space<vmem>>) semaphore(%arg17 : memref<!tpu.dma_semaphore, #tpu.memory_space<semaphore_mem>>)
      %add3A_356 = arith.constant 3 : i32
      %add3A_357 = arith.addi %mul3A_223, %add3A_356 : i32
      %dma_wait3A_358 = arith.constant 1 : i32
      %dma_wait3A_359 = arith.constant 0 : i32
      %dma_wait3A_360 = tpu.memref_slice %arg7[%add3A_357, %dma_wait3A_358, %dma_wait3A_359] : memref<78x2x128xi32, #tpu.memory_space<vmem>> -> memref<1x1x128xi32, #tpu.memory_space<vmem>>
      %dma_wait3A_361 = tpu.memref_squeeze %dma_wait3A_360 : memref<1x1x128xi32, #tpu.memory_space<vmem>> -> memref<128xi32, #tpu.memory_space<vmem>>
      %dma_wait3A_362 = arith.constant 0 : i32
      %dma_wait3A_363 = arith.constant 0 : i32
      %dma_wait3A_364 = tpu.memref_slice %arg13[%dma_wait3A_362, %dma_wait3A_363] : memref<10000x16xf32, #tpu.memory_space<vmem_shared>> -> memref<10000x16xf32, #tpu.memory_space<vmem_shared>>
      tpu.wait_indirect_dma semaphore(%arg22 : memref<!tpu.dma_semaphore, #tpu.memory_space<semaphore_mem>>) src(%arg12 : memref<128x16xf32, #tpu.memory_space<vmem>>) dst(%dma_wait3A_364 : memref<10000x16xf32, #tpu.memory_space<vmem_shared>>)
      %add3A_365 = arith.constant 4 : i32
      %add3A_366 = arith.addi %mul3A_223, %add3A_365 : i32
      %add3A_367 = arith.constant 3 : i32
      %add3A_368 = arith.addi %add3A_366, %add3A_367 : i32
      %dma_start3A_369 = arith.constant 0 : i32
      %dma_start3A_370 = arith.constant 0 : i32
      %dma_start3A_371 = tpu.memref_slice %arg7[%add3A_368, %dma_start3A_369, %dma_start3A_370] : memref<78x2x128xi32, #tpu.memory_space<vmem>> -> memref<1x1x128xi32, #tpu.memory_space<vmem>>
      %dma_start3A_372 = tpu.memref_squeeze %dma_start3A_371 : memref<1x1x128xi32, #tpu.memory_space<vmem>> -> memref<128xi32, #tpu.memory_space<vmem>>
      %dma_start3A_373 = arith.constant 0 : i32
      %dma_start3A_374 = arith.constant 0 : i32
      %dma_start3A_375 = tpu.memref_slice %arg14[%dma_start3A_373, %dma_start3A_374] : memref<10000x16xf32, #tpu.memory_space<vmem_shared>> -> memref<10000x16xf32, #tpu.memory_space<vmem_shared>>
      tpu.enqueue_indirect_dma source(%dma_start3A_375 : memref<10000x16xf32, #tpu.memory_space<vmem_shared>>) target(%arg12 : memref<128x16xf32, #tpu.memory_space<vmem>>) offsets(%dma_start3A_372 : memref<128xi32, #tpu.memory_space<vmem>>) semaphore(%arg18 : memref<!tpu.dma_semaphore, #tpu.memory_space<semaphore_mem>>)
    }
    %scan3A_49 = arith.constant 18 : i32
    %dma_wait3A = arith.constant 72 : i32
    %dma_wait3A_50 = arith.constant 0 : i32
    %dma_wait3A_51 = arith.constant 0 : i32
    %dma_wait3A_52 = tpu.memref_slice %arg7[%dma_wait3A, %dma_wait3A_50, %dma_wait3A_51] : memref<78x2x128xi32, #tpu.memory_space<vmem>> -> memref<1x1x128xi32, #tpu.memory_space<vmem>>
    %dma_wait3A_53 = tpu.memref_squeeze %dma_wait3A_52 : memref<1x1x128xi32, #tpu.memory_space<vmem>> -> memref<128xi32, #tpu.memory_space<vmem>>
    %dma_wait3A_54 = arith.constant 0 : i32
    %dma_wait3A_55 = arith.constant 0 : i32
    %dma_wait3A_56 = tpu.memref_slice %arg14[%dma_wait3A_54, %dma_wait3A_55] : memref<10000x16xf32, #tpu.memory_space<vmem_shared>> -> memref<10000x16xf32, #tpu.memory_space<vmem_shared>>
    tpu.wait_indirect_dma semaphore(%arg15 : memref<!tpu.dma_semaphore, #tpu.memory_space<semaphore_mem>>) src(%dma_wait3A_56 : memref<10000x16xf32, #tpu.memory_space<vmem_shared>>) dst(%arg9 : memref<128x16xf32, #tpu.memory_space<vmem>>)
    %dma_start3A_57 = arith.constant 72 : i32
    %dma_start3A_58 = arith.constant 1 : i32
    %dma_start3A_59 = arith.constant 0 : i32
    %dma_start3A_60 = tpu.memref_slice %arg7[%dma_start3A_57, %dma_start3A_58, %dma_start3A_59] : memref<78x2x128xi32, #tpu.memory_space<vmem>> -> memref<1x1x128xi32, #tpu.memory_space<vmem>>
    %dma_start3A_61 = tpu.memref_squeeze %dma_start3A_60 : memref<1x1x128xi32, #tpu.memory_space<vmem>> -> memref<128xi32, #tpu.memory_space<vmem>>
    %dma_start3A_62 = arith.constant 0 : i32
    %dma_start3A_63 = arith.constant 0 : i32
    %dma_start3A_64 = tpu.memref_slice %arg13[%dma_start3A_62, %dma_start3A_63] : memref<10000x16xf32, #tpu.memory_space<vmem_shared>> -> memref<10000x16xf32, #tpu.memory_space<vmem_shared>>
    tpu.enqueue_indirect_dma source(%arg9 : memref<128x16xf32, #tpu.memory_space<vmem>>) target(%dma_start3A_64 : memref<10000x16xf32, #tpu.memory_space<vmem_shared>>) offsets(%dma_start3A_61 : memref<128xi32, #tpu.memory_space<vmem>>) semaphore(%arg19 : memref<!tpu.dma_semaphore, #tpu.memory_space<semaphore_mem>>) {add = true}
    %dma_wait3A_65 = arith.constant 73 : i32
    %dma_wait3A_66 = arith.constant 0 : i32
    %dma_wait3A_67 = arith.constant 0 : i32
    %dma_wait3A_68 = tpu.memref_slice %arg7[%dma_wait3A_65, %dma_wait3A_66, %dma_wait3A_67] : memref<78x2x128xi32, #tpu.memory_space<vmem>> -> memref<1x1x128xi32, #tpu.memory_space<vmem>>
    %dma_wait3A_69 = tpu.memref_squeeze %dma_wait3A_68 : memref<1x1x128xi32, #tpu.memory_space<vmem>> -> memref<128xi32, #tpu.memory_space<vmem>>
    %dma_wait3A_70 = arith.constant 0 : i32
    %dma_wait3A_71 = arith.constant 0 : i32
    %dma_wait3A_72 = tpu.memref_slice %arg14[%dma_wait3A_70, %dma_wait3A_71] : memref<10000x16xf32, #tpu.memory_space<vmem_shared>> -> memref<10000x16xf32, #tpu.memory_space<vmem_shared>>
    tpu.wait_indirect_dma semaphore(%arg16 : memref<!tpu.dma_semaphore, #tpu.memory_space<semaphore_mem>>) src(%dma_wait3A_72 : memref<10000x16xf32, #tpu.memory_space<vmem_shared>>) dst(%arg10 : memref<128x16xf32, #tpu.memory_space<vmem>>)
    %dma_start3A_73 = arith.constant 73 : i32
    %dma_start3A_74 = arith.constant 1 : i32
    %dma_start3A_75 = arith.constant 0 : i32
    %dma_start3A_76 = tpu.memref_slice %arg7[%dma_start3A_73, %dma_start3A_74, %dma_start3A_75] : memref<78x2x128xi32, #tpu.memory_space<vmem>> -> memref<1x1x128xi32, #tpu.memory_space<vmem>>
    %dma_start3A_77 = tpu.memref_squeeze %dma_start3A_76 : memref<1x1x128xi32, #tpu.memory_space<vmem>> -> memref<128xi32, #tpu.memory_space<vmem>>
    %dma_start3A_78 = arith.constant 0 : i32
    %dma_start3A_79 = arith.constant 0 : i32
    %dma_start3A_80 = tpu.memref_slice %arg13[%dma_start3A_78, %dma_start3A_79] : memref<10000x16xf32, #tpu.memory_space<vmem_shared>> -> memref<10000x16xf32, #tpu.memory_space<vmem_shared>>
    tpu.enqueue_indirect_dma source(%arg10 : memref<128x16xf32, #tpu.memory_space<vmem>>) target(%dma_start3A_80 : memref<10000x16xf32, #tpu.memory_space<vmem_shared>>) offsets(%dma_start3A_77 : memref<128xi32, #tpu.memory_space<vmem>>) semaphore(%arg20 : memref<!tpu.dma_semaphore, #tpu.memory_space<semaphore_mem>>) {add = true}
    %dma_wait3A_81 = arith.constant 74 : i32
    %dma_wait3A_82 = arith.constant 0 : i32
    %dma_wait3A_83 = arith.constant 0 : i32
    %dma_wait3A_84 = tpu.memref_slice %arg7[%dma_wait3A_81, %dma_wait3A_82, %dma_wait3A_83] : memref<78x2x128xi32, #tpu.memory_space<vmem>> -> memref<1x1x128xi32, #tpu.memory_space<vmem>>
    %dma_wait3A_85 = tpu.memref_squeeze %dma_wait3A_84 : memref<1x1x128xi32, #tpu.memory_space<vmem>> -> memref<128xi32, #tpu.memory_space<vmem>>
    %dma_wait3A_86 = arith.constant 0 : i32
    %dma_wait3A_87 = arith.constant 0 : i32
    %dma_wait3A_88 = tpu.memref_slice %arg14[%dma_wait3A_86, %dma_wait3A_87] : memref<10000x16xf32, #tpu.memory_space<vmem_shared>> -> memref<10000x16xf32, #tpu.memory_space<vmem_shared>>
    tpu.wait_indirect_dma semaphore(%arg17 : memref<!tpu.dma_semaphore, #tpu.memory_space<semaphore_mem>>) src(%dma_wait3A_88 : memref<10000x16xf32, #tpu.memory_space<vmem_shared>>) dst(%arg11 : memref<128x16xf32, #tpu.memory_space<vmem>>)
    %dma_start3A_89 = arith.constant 74 : i32
    %dma_start3A_90 = arith.constant 1 : i32
    %dma_start3A_91 = arith.constant 0 : i32
    %dma_start3A_92 = tpu.memref_slice %arg7[%dma_start3A_89, %dma_start3A_90, %dma_start3A_91] : memref<78x2x128xi32, #tpu.memory_space<vmem>> -> memref<1x1x128xi32, #tpu.memory_space<vmem>>
    %dma_start3A_93 = tpu.memref_squeeze %dma_start3A_92 : memref<1x1x128xi32, #tpu.memory_space<vmem>> -> memref<128xi32, #tpu.memory_space<vmem>>
    %dma_start3A_94 = arith.constant 0 : i32
    %dma_start3A_95 = arith.constant 0 : i32
    %dma_start3A_96 = tpu.memref_slice %arg13[%dma_start3A_94, %dma_start3A_95] : memref<10000x16xf32, #tpu.memory_space<vmem_shared>> -> memref<10000x16xf32, #tpu.memory_space<vmem_shared>>
    tpu.enqueue_indirect_dma source(%arg11 : memref<128x16xf32, #tpu.memory_space<vmem>>) target(%dma_start3A_96 : memref<10000x16xf32, #tpu.memory_space<vmem_shared>>) offsets(%dma_start3A_93 : memref<128xi32, #tpu.memory_space<vmem>>) semaphore(%arg21 : memref<!tpu.dma_semaphore, #tpu.memory_space<semaphore_mem>>) {add = true}
    %dma_wait3A_97 = arith.constant 75 : i32
    %dma_wait3A_98 = arith.constant 0 : i32
    %dma_wait3A_99 = arith.constant 0 : i32
    %dma_wait3A_100 = tpu.memref_slice %arg7[%dma_wait3A_97, %dma_wait3A_98, %dma_wait3A_99] : memref<78x2x128xi32, #tpu.memory_space<vmem>> -> memref<1x1x128xi32, #tpu.memory_space<vmem>>
    %dma_wait3A_101 = tpu.memref_squeeze %dma_wait3A_100 : memref<1x1x128xi32, #tpu.memory_space<vmem>> -> memref<128xi32, #tpu.memory_space<vmem>>
    %dma_wait3A_102 = arith.constant 0 : i32
    %dma_wait3A_103 = arith.constant 0 : i32
    %dma_wait3A_104 = tpu.memref_slice %arg14[%dma_wait3A_102, %dma_wait3A_103] : memref<10000x16xf32, #tpu.memory_space<vmem_shared>> -> memref<10000x16xf32, #tpu.memory_space<vmem_shared>>
    tpu.wait_indirect_dma semaphore(%arg18 : memref<!tpu.dma_semaphore, #tpu.memory_space<semaphore_mem>>) src(%dma_wait3A_104 : memref<10000x16xf32, #tpu.memory_space<vmem_shared>>) dst(%arg12 : memref<128x16xf32, #tpu.memory_space<vmem>>)
    %dma_start3A_105 = arith.constant 75 : i32
    %dma_start3A_106 = arith.constant 1 : i32
    %dma_start3A_107 = arith.constant 0 : i32
    %dma_start3A_108 = tpu.memref_slice %arg7[%dma_start3A_105, %dma_start3A_106, %dma_start3A_107] : memref<78x2x128xi32, #tpu.memory_space<vmem>> -> memref<1x1x128xi32, #tpu.memory_space<vmem>>
    %dma_start3A_109 = tpu.memref_squeeze %dma_start3A_108 : memref<1x1x128xi32, #tpu.memory_space<vmem>> -> memref<128xi32, #tpu.memory_space<vmem>>
    %dma_start3A_110 = arith.constant 0 : i32
    %dma_start3A_111 = arith.constant 0 : i32
    %dma_start3A_112 = tpu.memref_slice %arg13[%dma_start3A_110, %dma_start3A_111] : memref<10000x16xf32, #tpu.memory_space<vmem_shared>> -> memref<10000x16xf32, #tpu.memory_space<vmem_shared>>
    tpu.enqueue_indirect_dma source(%arg12 : memref<128x16xf32, #tpu.memory_space<vmem>>) target(%dma_start3A_112 : memref<10000x16xf32, #tpu.memory_space<vmem_shared>>) offsets(%dma_start3A_109 : memref<128xi32, #tpu.memory_space<vmem>>) semaphore(%arg22 : memref<!tpu.dma_semaphore, #tpu.memory_space<semaphore_mem>>) {add = true}
    %dma_wait3A_113 = arith.constant 72 : i32
    %dma_wait3A_114 = arith.constant 1 : i32
    %dma_wait3A_115 = arith.constant 0 : i32
    %dma_wait3A_116 = tpu.memref_slice %arg7[%dma_wait3A_113, %dma_wait3A_114, %dma_wait3A_115] : memref<78x2x128xi32, #tpu.memory_space<vmem>> -> memref<1x1x128xi32, #tpu.memory_space<vmem>>
    %dma_wait3A_117 = tpu.memref_squeeze %dma_wait3A_116 : memref<1x1x128xi32, #tpu.memory_space<vmem>> -> memref<128xi32, #tpu.memory_space<vmem>>
    %dma_wait3A_118 = arith.constant 0 : i32
    %dma_wait3A_119 = arith.constant 0 : i32
    %dma_wait3A_120 = tpu.memref_slice %arg13[%dma_wait3A_118, %dma_wait3A_119] : memref<10000x16xf32, #tpu.memory_space<vmem_shared>> -> memref<10000x16xf32, #tpu.memory_space<vmem_shared>>
    tpu.wait_indirect_dma semaphore(%arg19 : memref<!tpu.dma_semaphore, #tpu.memory_space<semaphore_mem>>) src(%arg9 : memref<128x16xf32, #tpu.memory_space<vmem>>) dst(%dma_wait3A_120 : memref<10000x16xf32, #tpu.memory_space<vmem_shared>>)
    %dma_wait3A_121 = arith.constant 73 : i32
    %dma_wait3A_122 = arith.constant 1 : i32
    %dma_wait3A_123 = arith.constant 0 : i32
    %dma_wait3A_124 = tpu.memref_slice %arg7[%dma_wait3A_121, %dma_wait3A_122, %dma_wait3A_123] : memref<78x2x128xi32, #tpu.memory_space<vmem>> -> memref<1x1x128xi32, #tpu.memory_space<vmem>>
    %dma_wait3A_125 = tpu.memref_squeeze %dma_wait3A_124 : memref<1x1x128xi32, #tpu.memory_space<vmem>> -> memref<128xi32, #tpu.memory_space<vmem>>
    %dma_wait3A_126 = arith.constant 0 : i32
    %dma_wait3A_127 = arith.constant 0 : i32
    %dma_wait3A_128 = tpu.memref_slice %arg13[%dma_wait3A_126, %dma_wait3A_127] : memref<10000x16xf32, #tpu.memory_space<vmem_shared>> -> memref<10000x16xf32, #tpu.memory_space<vmem_shared>>
    tpu.wait_indirect_dma semaphore(%arg20 : memref<!tpu.dma_semaphore, #tpu.memory_space<semaphore_mem>>) src(%arg10 : memref<128x16xf32, #tpu.memory_space<vmem>>) dst(%dma_wait3A_128 : memref<10000x16xf32, #tpu.memory_space<vmem_shared>>)
    %dma_wait3A_129 = arith.constant 74 : i32
    %dma_wait3A_130 = arith.constant 1 : i32
    %dma_wait3A_131 = arith.constant 0 : i32
    %dma_wait3A_132 = tpu.memref_slice %arg7[%dma_wait3A_129, %dma_wait3A_130, %dma_wait3A_131] : memref<78x2x128xi32, #tpu.memory_space<vmem>> -> memref<1x1x128xi32, #tpu.memory_space<vmem>>
    %dma_wait3A_133 = tpu.memref_squeeze %dma_wait3A_132 : memref<1x1x128xi32, #tpu.memory_space<vmem>> -> memref<128xi32, #tpu.memory_space<vmem>>
    %dma_wait3A_134 = arith.constant 0 : i32
    %dma_wait3A_135 = arith.constant 0 : i32
    %dma_wait3A_136 = tpu.memref_slice %arg13[%dma_wait3A_134, %dma_wait3A_135] : memref<10000x16xf32, #tpu.memory_space<vmem_shared>> -> memref<10000x16xf32, #tpu.memory_space<vmem_shared>>
    tpu.wait_indirect_dma semaphore(%arg21 : memref<!tpu.dma_semaphore, #tpu.memory_space<semaphore_mem>>) src(%arg11 : memref<128x16xf32, #tpu.memory_space<vmem>>) dst(%dma_wait3A_136 : memref<10000x16xf32, #tpu.memory_space<vmem_shared>>)
    %dma_wait3A_137 = arith.constant 75 : i32
    %dma_wait3A_138 = arith.constant 1 : i32
    %dma_wait3A_139 = arith.constant 0 : i32
    %dma_wait3A_140 = tpu.memref_slice %arg7[%dma_wait3A_137, %dma_wait3A_138, %dma_wait3A_139] : memref<78x2x128xi32, #tpu.memory_space<vmem>> -> memref<1x1x128xi32, #tpu.memory_space<vmem>>
    %dma_wait3A_141 = tpu.memref_squeeze %dma_wait3A_140 : memref<1x1x128xi32, #tpu.memory_space<vmem>> -> memref<128xi32, #tpu.memory_space<vmem>>
    %dma_wait3A_142 = arith.constant 0 : i32
    %dma_wait3A_143 = arith.constant 0 : i32
    %dma_wait3A_144 = tpu.memref_slice %arg13[%dma_wait3A_142, %dma_wait3A_143] : memref<10000x16xf32, #tpu.memory_space<vmem_shared>> -> memref<10000x16xf32, #tpu.memory_space<vmem_shared>>
    tpu.wait_indirect_dma semaphore(%arg22 : memref<!tpu.dma_semaphore, #tpu.memory_space<semaphore_mem>>) src(%arg12 : memref<128x16xf32, #tpu.memory_space<vmem>>) dst(%dma_wait3A_144 : memref<10000x16xf32, #tpu.memory_space<vmem_shared>>)
    %dma_start3A_145 = arith.constant 76 : i32
    %dma_start3A_146 = arith.constant 0 : i32
    %dma_start3A_147 = arith.constant 0 : i32
    %dma_start3A_148 = tpu.memref_slice %arg7[%dma_start3A_145, %dma_start3A_146, %dma_start3A_147] : memref<78x2x128xi32, #tpu.memory_space<vmem>> -> memref<1x1x128xi32, #tpu.memory_space<vmem>>
    %dma_start3A_149 = tpu.memref_squeeze %dma_start3A_148 : memref<1x1x128xi32, #tpu.memory_space<vmem>> -> memref<128xi32, #tpu.memory_space<vmem>>
    %dma_start3A_150 = arith.constant 0 : i32
    %dma_start3A_151 = arith.constant 0 : i32
    %dma_start3A_152 = tpu.memref_slice %arg14[%dma_start3A_150, %dma_start3A_151] : memref<10000x16xf32, #tpu.memory_space<vmem_shared>> -> memref<10000x16xf32, #tpu.memory_space<vmem_shared>>
    tpu.enqueue_indirect_dma source(%dma_start3A_152 : memref<10000x16xf32, #tpu.memory_space<vmem_shared>>) target(%arg9 : memref<128x16xf32, #tpu.memory_space<vmem>>) offsets(%dma_start3A_149 : memref<128xi32, #tpu.memory_space<vmem>>) semaphore(%arg15 : memref<!tpu.dma_semaphore, #tpu.memory_space<semaphore_mem>>)
    %dma_start3A_153 = arith.constant 77 : i32
    %dma_start3A_154 = arith.constant 0 : i32
    %dma_start3A_155 = arith.constant 0 : i32
    %dma_start3A_156 = tpu.memref_slice %arg7[%dma_start3A_153, %dma_start3A_154, %dma_start3A_155] : memref<78x2x128xi32, #tpu.memory_space<vmem>> -> memref<1x1x128xi32, #tpu.memory_space<vmem>>
    %dma_start3A_157 = tpu.memref_squeeze %dma_start3A_156 : memref<1x1x128xi32, #tpu.memory_space<vmem>> -> memref<128xi32, #tpu.memory_space<vmem>>
    %dma_start3A_158 = arith.constant 0 : i32
    %dma_start3A_159 = arith.constant 0 : i32
    %dma_start3A_160 = tpu.memref_slice %arg14[%dma_start3A_158, %dma_start3A_159] : memref<10000x16xf32, #tpu.memory_space<vmem_shared>> -> memref<10000x16xf32, #tpu.memory_space<vmem_shared>>
    tpu.enqueue_indirect_dma source(%dma_start3A_160 : memref<10000x16xf32, #tpu.memory_space<vmem_shared>>) target(%arg10 : memref<128x16xf32, #tpu.memory_space<vmem>>) offsets(%dma_start3A_157 : memref<128xi32, #tpu.memory_space<vmem>>) semaphore(%arg16 : memref<!tpu.dma_semaphore, #tpu.memory_space<semaphore_mem>>)
    %dma_wait3A_161 = arith.constant 76 : i32
    %dma_wait3A_162 = arith.constant 0 : i32
    %dma_wait3A_163 = arith.constant 0 : i32
    %dma_wait3A_164 = tpu.memref_slice %arg7[%dma_wait3A_161, %dma_wait3A_162, %dma_wait3A_163] : memref<78x2x128xi32, #tpu.memory_space<vmem>> -> memref<1x1x128xi32, #tpu.memory_space<vmem>>
    %dma_wait3A_165 = tpu.memref_squeeze %dma_wait3A_164 : memref<1x1x128xi32, #tpu.memory_space<vmem>> -> memref<128xi32, #tpu.memory_space<vmem>>
    %dma_wait3A_166 = arith.constant 0 : i32
    %dma_wait3A_167 = arith.constant 0 : i32
    %dma_wait3A_168 = tpu.memref_slice %arg14[%dma_wait3A_166, %dma_wait3A_167] : memref<10000x16xf32, #tpu.memory_space<vmem_shared>> -> memref<10000x16xf32, #tpu.memory_space<vmem_shared>>
    tpu.wait_indirect_dma semaphore(%arg15 : memref<!tpu.dma_semaphore, #tpu.memory_space<semaphore_mem>>) src(%dma_wait3A_168 : memref<10000x16xf32, #tpu.memory_space<vmem_shared>>) dst(%arg9 : memref<128x16xf32, #tpu.memory_space<vmem>>)
    %dma_start3A_169 = arith.constant 76 : i32
    %dma_start3A_170 = arith.constant 1 : i32
    %dma_start3A_171 = arith.constant 0 : i32
    %dma_start3A_172 = tpu.memref_slice %arg7[%dma_start3A_169, %dma_start3A_170, %dma_start3A_171] : memref<78x2x128xi32, #tpu.memory_space<vmem>> -> memref<1x1x128xi32, #tpu.memory_space<vmem>>
    %dma_start3A_173 = tpu.memref_squeeze %dma_start3A_172 : memref<1x1x128xi32, #tpu.memory_space<vmem>> -> memref<128xi32, #tpu.memory_space<vmem>>
    %dma_start3A_174 = arith.constant 0 : i32
    %dma_start3A_175 = arith.constant 0 : i32
    %dma_start3A_176 = tpu.memref_slice %arg13[%dma_start3A_174, %dma_start3A_175] : memref<10000x16xf32, #tpu.memory_space<vmem_shared>> -> memref<10000x16xf32, #tpu.memory_space<vmem_shared>>
    tpu.enqueue_indirect_dma source(%arg9 : memref<128x16xf32, #tpu.memory_space<vmem>>) target(%dma_start3A_176 : memref<10000x16xf32, #tpu.memory_space<vmem_shared>>) offsets(%dma_start3A_173 : memref<128xi32, #tpu.memory_space<vmem>>) semaphore(%arg19 : memref<!tpu.dma_semaphore, #tpu.memory_space<semaphore_mem>>) {add = true}
    %dma_wait3A_177 = arith.constant 77 : i32
    %dma_wait3A_178 = arith.constant 0 : i32
    %dma_wait3A_179 = arith.constant 0 : i32
    %dma_wait3A_180 = tpu.memref_slice %arg7[%dma_wait3A_177, %dma_wait3A_178, %dma_wait3A_179] : memref<78x2x128xi32, #tpu.memory_space<vmem>> -> memref<1x1x128xi32, #tpu.memory_space<vmem>>
    %dma_wait3A_181 = tpu.memref_squeeze %dma_wait3A_180 : memref<1x1x128xi32, #tpu.memory_space<vmem>> -> memref<128xi32, #tpu.memory_space<vmem>>
    %dma_wait3A_182 = arith.constant 0 : i32
    %dma_wait3A_183 = arith.constant 0 : i32
    %dma_wait3A_184 = tpu.memref_slice %arg14[%dma_wait3A_182, %dma_wait3A_183] : memref<10000x16xf32, #tpu.memory_space<vmem_shared>> -> memref<10000x16xf32, #tpu.memory_space<vmem_shared>>
    tpu.wait_indirect_dma semaphore(%arg16 : memref<!tpu.dma_semaphore, #tpu.memory_space<semaphore_mem>>) src(%dma_wait3A_184 : memref<10000x16xf32, #tpu.memory_space<vmem_shared>>) dst(%arg10 : memref<128x16xf32, #tpu.memory_space<vmem>>)
    %dma_start3A_185 = arith.constant 77 : i32
    %dma_start3A_186 = arith.constant 1 : i32
    %dma_start3A_187 = arith.constant 0 : i32
    %dma_start3A_188 = tpu.memref_slice %arg7[%dma_start3A_185, %dma_start3A_186, %dma_start3A_187] : memref<78x2x128xi32, #tpu.memory_space<vmem>> -> memref<1x1x128xi32, #tpu.memory_space<vmem>>
    %dma_start3A_189 = tpu.memref_squeeze %dma_start3A_188 : memref<1x1x128xi32, #tpu.memory_space<vmem>> -> memref<128xi32, #tpu.memory_space<vmem>>
    %dma_start3A_190 = arith.constant 0 : i32
    %dma_start3A_191 = arith.constant 0 : i32
    %dma_start3A_192 = tpu.memref_slice %arg13[%dma_start3A_190, %dma_start3A_191] : memref<10000x16xf32, #tpu.memory_space<vmem_shared>> -> memref<10000x16xf32, #tpu.memory_space<vmem_shared>>
    tpu.enqueue_indirect_dma source(%arg10 : memref<128x16xf32, #tpu.memory_space<vmem>>) target(%dma_start3A_192 : memref<10000x16xf32, #tpu.memory_space<vmem_shared>>) offsets(%dma_start3A_189 : memref<128xi32, #tpu.memory_space<vmem>>) semaphore(%arg20 : memref<!tpu.dma_semaphore, #tpu.memory_space<semaphore_mem>>) {add = true}
    %dma_wait3A_193 = arith.constant 76 : i32
    %dma_wait3A_194 = arith.constant 1 : i32
    %dma_wait3A_195 = arith.constant 0 : i32
    %dma_wait3A_196 = tpu.memref_slice %arg7[%dma_wait3A_193, %dma_wait3A_194, %dma_wait3A_195] : memref<78x2x128xi32, #tpu.memory_space<vmem>> -> memref<1x1x128xi32, #tpu.memory_space<vmem>>
    %dma_wait3A_197 = tpu.memref_squeeze %dma_wait3A_196 : memref<1x1x128xi32, #tpu.memory_space<vmem>> -> memref<128xi32, #tpu.memory_space<vmem>>
    %dma_wait3A_198 = arith.constant 0 : i32
    %dma_wait3A_199 = arith.constant 0 : i32
    %dma_wait3A_200 = tpu.memref_slice %arg13[%dma_wait3A_198, %dma_wait3A_199] : memref<10000x16xf32, #tpu.memory_space<vmem_shared>> -> memref<10000x16xf32, #tpu.memory_space<vmem_shared>>
    tpu.wait_indirect_dma semaphore(%arg19 : memref<!tpu.dma_semaphore, #tpu.memory_space<semaphore_mem>>) src(%arg9 : memref<128x16xf32, #tpu.memory_space<vmem>>) dst(%dma_wait3A_200 : memref<10000x16xf32, #tpu.memory_space<vmem_shared>>)
    %dma_wait3A_201 = arith.constant 77 : i32
    %dma_wait3A_202 = arith.constant 1 : i32
    %dma_wait3A_203 = arith.constant 0 : i32
    %dma_wait3A_204 = tpu.memref_slice %arg7[%dma_wait3A_201, %dma_wait3A_202, %dma_wait3A_203] : memref<78x2x128xi32, #tpu.memory_space<vmem>> -> memref<1x1x128xi32, #tpu.memory_space<vmem>>
    %dma_wait3A_205 = tpu.memref_squeeze %dma_wait3A_204 : memref<1x1x128xi32, #tpu.memory_space<vmem>> -> memref<128xi32, #tpu.memory_space<vmem>>
    %dma_wait3A_206 = arith.constant 0 : i32
    %dma_wait3A_207 = arith.constant 0 : i32
    %dma_wait3A_208 = tpu.memref_slice %arg13[%dma_wait3A_206, %dma_wait3A_207] : memref<10000x16xf32, #tpu.memory_space<vmem_shared>> -> memref<10000x16xf32, #tpu.memory_space<vmem_shared>>
    tpu.wait_indirect_dma semaphore(%arg20 : memref<!tpu.dma_semaphore, #tpu.memory_space<semaphore_mem>>) src(%arg10 : memref<128x16xf32, #tpu.memory_space<vmem>>) dst(%dma_wait3A_208 : memref<10000x16xf32, #tpu.memory_space<vmem_shared>>)
    %lt3A = arith.constant 4 : i32
    %lt3A_209 = arith.cmpi slt, %add3A, %lt3A : i32
    %convert_element_type3A = arith.extui %lt3A_209 : i1 to i32
    %cond3A = arith.constant 0 : i32
    %cond3A_210 = arith.cmpi ne, %convert_element_type3A, %cond3A : i32
    scf.if %cond3A_210 {
      %dma_start3A_221 = arith.constant 0 : i32
      %dma_start3A_222 = arith.constant 0 : i32
      %dma_start3A_223 = tpu.memref_slice %arg8[%dma_start3A_221, %dma_start3A_222] : memref<2x128xi32, #tpu.memory_space<vmem>> -> memref<1x128xi32, #tpu.memory_space<vmem>>
      %dma_start3A_224 = tpu.memref_squeeze %dma_start3A_223 : memref<1x128xi32, #tpu.memory_space<vmem>> -> memref<128xi32, #tpu.memory_space<vmem>>
      %dma_start3A_225 = arith.constant 0 : i32
      %dma_start3A_226 = arith.constant 0 : i32
      %dma_start3A_227 = tpu.memref_slice %arg14[%dma_start3A_225, %dma_start3A_226] : memref<10000x16xf32, #tpu.memory_space<vmem_shared>> -> memref<10000x16xf32, #tpu.memory_space<vmem_shared>>
      tpu.enqueue_indirect_dma source(%dma_start3A_227 : memref<10000x16xf32, #tpu.memory_space<vmem_shared>>) target(%arg9 : memref<128x16xf32, #tpu.memory_space<vmem>>) offsets(%dma_start3A_224 : memref<128xi32, #tpu.memory_space<vmem>>) semaphore(%arg15 : memref<!tpu.dma_semaphore, #tpu.memory_space<semaphore_mem>>)
      %dma_wait3A_228 = arith.constant 0 : i32
      %dma_wait3A_229 = arith.constant 0 : i32
      %dma_wait3A_230 = tpu.memref_slice %arg8[%dma_wait3A_228, %dma_wait3A_229] : memref<2x128xi32, #tpu.memory_space<vmem>> -> memref<1x128xi32, #tpu.memory_space<vmem>>
      %dma_wait3A_231 = tpu.memref_squeeze %dma_wait3A_230 : memref<1x128xi32, #tpu.memory_space<vmem>> -> memref<128xi32, #tpu.memory_space<vmem>>
      %dma_wait3A_232 = arith.constant 0 : i32
      %dma_wait3A_233 = arith.constant 0 : i32
      %dma_wait3A_234 = tpu.memref_slice %arg14[%dma_wait3A_232, %dma_wait3A_233] : memref<10000x16xf32, #tpu.memory_space<vmem_shared>> -> memref<10000x16xf32, #tpu.memory_space<vmem_shared>>
      tpu.wait_indirect_dma semaphore(%arg15 : memref<!tpu.dma_semaphore, #tpu.memory_space<semaphore_mem>>) src(%dma_wait3A_234 : memref<10000x16xf32, #tpu.memory_space<vmem_shared>>) dst(%arg9 : memref<128x16xf32, #tpu.memory_space<vmem>>)
      %dma_start3A_235 = arith.constant 1 : i32
      %dma_start3A_236 = arith.constant 0 : i32
      %dma_start3A_237 = tpu.memref_slice %arg8[%dma_start3A_235, %dma_start3A_236] : memref<2x128xi32, #tpu.memory_space<vmem>> -> memref<1x128xi32, #tpu.memory_space<vmem>>
      %dma_start3A_238 = tpu.memref_squeeze %dma_start3A_237 : memref<1x128xi32, #tpu.memory_space<vmem>> -> memref<128xi32, #tpu.memory_space<vmem>>
      %dma_start3A_239 = arith.constant 0 : i32
      %dma_start3A_240 = arith.constant 0 : i32
      %dma_start3A_241 = tpu.memref_slice %arg13[%dma_start3A_239, %dma_start3A_240] : memref<10000x16xf32, #tpu.memory_space<vmem_shared>> -> memref<10000x16xf32, #tpu.memory_space<vmem_shared>>
      tpu.enqueue_indirect_dma source(%arg9 : memref<128x16xf32, #tpu.memory_space<vmem>>) target(%dma_start3A_241 : memref<10000x16xf32, #tpu.memory_space<vmem_shared>>) offsets(%dma_start3A_238 : memref<128xi32, #tpu.memory_space<vmem>>) semaphore(%arg19 : memref<!tpu.dma_semaphore, #tpu.memory_space<semaphore_mem>>) {add = true}
      %dma_wait3A_242 = arith.constant 1 : i32
      %dma_wait3A_243 = arith.constant 0 : i32
      %dma_wait3A_244 = tpu.memref_slice %arg8[%dma_wait3A_242, %dma_wait3A_243] : memref<2x128xi32, #tpu.memory_space<vmem>> -> memref<1x128xi32, #tpu.memory_space<vmem>>
      %dma_wait3A_245 = tpu.memref_squeeze %dma_wait3A_244 : memref<1x128xi32, #tpu.memory_space<vmem>> -> memref<128xi32, #tpu.memory_space<vmem>>
      %dma_wait3A_246 = arith.constant 0 : i32
      %dma_wait3A_247 = arith.constant 0 : i32
      %dma_wait3A_248 = tpu.memref_slice %arg13[%dma_wait3A_246, %dma_wait3A_247] : memref<10000x16xf32, #tpu.memory_space<vmem_shared>> -> memref<10000x16xf32, #tpu.memory_space<vmem_shared>>
      tpu.wait_indirect_dma semaphore(%arg19 : memref<!tpu.dma_semaphore, #tpu.memory_space<semaphore_mem>>) src(%arg9 : memref<128x16xf32, #tpu.memory_space<vmem>>) dst(%dma_wait3A_248 : memref<10000x16xf32, #tpu.memory_space<vmem_shared>>)
    } else {
    }
    %barrier3A_211 = arith.constant 0 : index
    tpu.barrier barrier_id(%barrier3A_211)
    %eq3A = arith.constant 0 : i32
    %eq3A_212 = arith.cmpi eq, %arg0, %eq3A : i32
    %convert_element_type3A_213 = arith.extui %eq3A_212 : i1 to i32
    %cond3A_214 = arith.constant 0 : i32
    %cond3A_215 = arith.cmpi ne, %convert_element_type3A_213, %cond3A_214 : i32
    scf.if %cond3A_215 {
      %mul3A_221 = arith.constant 625 : i32
      %mul3A_222 = arith.muli %arg1, %mul3A_221 : i32
      %mul3A_223 = arith.constant 625 : i32
      %mul3A_224 = arith.muli %arg1, %mul3A_223 : i32
      "tpu.region"() ({
        %run_scoped3A = tpu.sem_alloc : memref<!tpu.dma_semaphore, #tpu.memory_space<semaphore_mem>>
        %dma_start3A_225 = arith.constant 0 : i32
        %dma_start3A_226 = tpu.memref_slice %arg5[%mul3A_224, %dma_start3A_225] : memref<10000x16xf32, #tpu.memory_space<hbm>> -> memref<625x16xf32, #tpu.memory_space<hbm>>
        %dma_start3A_227 = arith.constant 0 : i32
        %dma_start3A_228 = tpu.memref_slice %arg13[%mul3A_222, %dma_start3A_227] : memref<10000x16xf32, #tpu.memory_space<vmem_shared>> -> memref<625x16xf32, #tpu.memory_space<vmem_shared>>
        tpu.enqueue_dma source(%dma_start3A_228 : memref<625x16xf32, #tpu.memory_space<vmem_shared>>) target(%dma_start3A_226 : memref<625x16xf32, #tpu.memory_space<hbm>>) target_semaphore(%run_scoped3A : memref<!tpu.dma_semaphore, #tpu.memory_space<semaphore_mem>>)
        %dma_wait3A_229 = arith.constant 0 : i32
        %dma_wait3A_230 = tpu.memref_slice %arg5[%mul3A_224, %dma_wait3A_229] : memref<10000x16xf32, #tpu.memory_space<hbm>> -> memref<625x16xf32, #tpu.memory_space<hbm>>
        %dma_wait3A_231 = arith.constant 0 : i32
        %dma_wait3A_232 = tpu.memref_slice %arg13[%mul3A_222, %dma_wait3A_231] : memref<10000x16xf32, #tpu.memory_space<vmem_shared>> -> memref<625x16xf32, #tpu.memory_space<vmem_shared>>
        tpu.wait_dma2 semaphore(%run_scoped3A : memref<!tpu.dma_semaphore, #tpu.memory_space<semaphore_mem>>) src(%dma_wait3A_232 : memref<625x16xf32, #tpu.memory_space<vmem_shared>>) dst(%dma_wait3A_230 : memref<625x16xf32, #tpu.memory_space<hbm>>)
        tpu.yield
      }) : () -> ()
    } else {
    }
    %eq3A_216 = arith.constant 1 : i32
    %eq3A_217 = arith.cmpi eq, %arg0, %eq3A_216 : i32
    %convert_element_type3A_218 = arith.extui %eq3A_217 : i1 to i32
    %cond3A_219 = arith.constant 0 : i32
    %cond3A_220 = arith.cmpi ne, %convert_element_type3A_218, %cond3A_219 : i32
    scf.if %cond3A_220 {
      %mul3A_221 = arith.constant 625 : i32
      %mul3A_222 = arith.muli %arg1, %mul3A_221 : i32
      %mul3A_223 = arith.constant 625 : i32
      %mul3A_224 = arith.muli %arg1, %mul3A_223 : i32
      "tpu.region"() ({
        %run_scoped3A = tpu.sem_alloc : memref<!tpu.dma_semaphore, #tpu.memory_space<semaphore_mem>>
        %dma_start3A_225 = arith.constant 0 : i32
        %dma_start3A_226 = tpu.memref_slice %arg6[%mul3A_224, %dma_start3A_225] : memref<10000x16xf32, #tpu.memory_space<hbm>> -> memref<625x16xf32, #tpu.memory_space<hbm>>
        %dma_start3A_227 = arith.constant 0 : i32
        %dma_start3A_228 = tpu.memref_slice %arg13[%mul3A_222, %dma_start3A_227] : memref<10000x16xf32, #tpu.memory_space<vmem_shared>> -> memref<625x16xf32, #tpu.memory_space<vmem_shared>>
        tpu.enqueue_dma source(%dma_start3A_228 : memref<625x16xf32, #tpu.memory_space<vmem_shared>>) target(%dma_start3A_226 : memref<625x16xf32, #tpu.memory_space<hbm>>) target_semaphore(%run_scoped3A : memref<!tpu.dma_semaphore, #tpu.memory_space<semaphore_mem>>)
        %dma_wait3A_229 = arith.constant 0 : i32
        %dma_wait3A_230 = tpu.memref_slice %arg6[%mul3A_224, %dma_wait3A_229] : memref<10000x16xf32, #tpu.memory_space<hbm>> -> memref<625x16xf32, #tpu.memory_space<hbm>>
        %dma_wait3A_231 = arith.constant 0 : i32
        %dma_wait3A_232 = tpu.memref_slice %arg13[%mul3A_222, %dma_wait3A_231] : memref<10000x16xf32, #tpu.memory_space<vmem_shared>> -> memref<625x16xf32, #tpu.memory_space<vmem_shared>>
        tpu.wait_dma2 semaphore(%run_scoped3A : memref<!tpu.dma_semaphore, #tpu.memory_space<semaphore_mem>>) src(%dma_wait3A_232 : memref<625x16xf32, #tpu.memory_space<vmem_shared>>) dst(%dma_wait3A_230 : memref<625x16xf32, #tpu.memory_space<hbm>>)
        tpu.yield
      }) : () -> ()
    } else {
    }
    return
  }
}

module attributes {stable_mosaic.version = 14 : i64} {
  func.func @_mm1(%arg0: memref<10000x128xf32, #tpu.memory_space<vmem>>, %arg1: memref<128x64xf32, #tpu.memory_space<vmem>>, %arg2: memref<10000x64xf32, #tpu.memory_space<vmem>>) attributes {dimension_semantics = [], scalar_prefetch = 0 : i64, scratch_operands = 0 : i64, tpu.core_type = #tpu.core_type<tc>} {
    %get3A = arith.constant 0 : index
    %get3A_0 = arith.constant 0 : index
    %get3A_1 = vector.load %arg0[%get3A, %get3A_0] : memref<10000x128xf32, #tpu.memory_space<vmem>>, vector<10000x128xf32>
    %get3A_2 = arith.constant 0 : index
    %get3A_3 = arith.constant 0 : index
    %get3A_4 = vector.load %arg1[%get3A_2, %get3A_3] : memref<128x64xf32, #tpu.memory_space<vmem>>, vector<128x64xf32>
    %dot_general3A = arith.constant dense<0.000000e+00> : vector<10000x64xf32>
    %dot_general3A_5 = tpu.matmul %get3A_1, %get3A_4, %dot_general3A {dimension_numbers = #tpu.dot_dimension_numbers<[1], [0], [0], [1], [0, 0, 1, 1], [], []>, transpose_lhs_hint = false} : vector<10000x128xf32>, vector<128x64xf32>, vector<10000x64xf32> -> vector<10000x64xf32>
    %swap3A = arith.constant 0 : index
    %swap3A_6 = arith.constant 0 : index
    %swap3A_7 = vector.load %arg2[%swap3A, %swap3A_6] : memref<10000x64xf32, #tpu.memory_space<vmem>>, vector<10000x64xf32>
    tpu.vector_store %arg2[%swap3A, %swap3A_6], %dot_general3A_5 {strides = array<i32>} : memref<10000x64xf32, #tpu.memory_space<vmem>>, vector<10000x64xf32>,
    return
  }
}

module attributes {stable_mosaic.version = 14 : i64} {
  func.func @_scale1(%arg0: memref<10000x64xf32, #tpu.memory_space<vmem>>, %arg1: memref<10000x16xf32, #tpu.memory_space<vmem>>, %arg2: memref<10000x16xf32, #tpu.memory_space<vmem>>, %arg3: memref<10000x64xf32, #tpu.memory_space<vmem>>, %arg4: memref<10000x1xf32, #tpu.memory_space<vmem>>) attributes {dimension_semantics = [], scalar_prefetch = 0 : i64, scratch_operands = 0 : i64, tpu.core_type = #tpu.core_type<tc>} {
    %get3A = arith.constant 0 : index
    %get3A_0 = arith.constant 0 : index
    %get3A_1 = vector.load %arg1[%get3A, %get3A_0] : memref<10000x16xf32, #tpu.memory_space<vmem>>, vector<10000x1xf32>
    %get3A_2 = arith.constant 0 : index
    %get3A_3 = arith.constant 0 : index
    %get3A_4 = vector.load %arg2[%get3A_2, %get3A_3] : memref<10000x16xf32, #tpu.memory_space<vmem>>, vector<10000x1xf32>
    %add3A = arith.addf %get3A_1, %get3A_4 : vector<10000x1xf32>
    %add3A_5 = arith.constant 1.000000e+00 : f32
    %add3A_6 = vector.broadcast %add3A_5 : f32 to vector<10000x1xf32>
    %add3A_7 = arith.addf %add3A, %add3A_6 : vector<10000x1xf32>
    %rsqrt3A = math.rsqrt %add3A_7 : vector<10000x1xf32>
    %get3A_8 = arith.constant 0 : index
    %get3A_9 = arith.constant 0 : index
    %get3A_10 = vector.load %arg0[%get3A_8, %get3A_9] : memref<10000x64xf32, #tpu.memory_space<vmem>>, vector<10000x64xf32>
    %mul3A = vector.broadcast %rsqrt3A : vector<10000x1xf32> to vector<10000x64xf32>
    %mul3A_11 = arith.mulf %get3A_10, %mul3A : vector<10000x64xf32>
    %swap3A = arith.constant 0 : index
    %swap3A_12 = arith.constant 0 : index
    %swap3A_13 = vector.load %arg3[%swap3A, %swap3A_12] : memref<10000x64xf32, #tpu.memory_space<vmem>>, vector<10000x64xf32>
    tpu.vector_store %arg3[%swap3A, %swap3A_12], %mul3A_11 {strides = array<i32>} : memref<10000x64xf32, #tpu.memory_space<vmem>>, vector<10000x64xf32>,
    %swap3A_14 = arith.constant 0 : index
    %swap3A_15 = arith.constant 0 : index
    %swap3A_16 = vector.load %arg4[%swap3A_14, %swap3A_15] : memref<10000x1xf32, #tpu.memory_space<vmem>>, vector<10000x1xf32>
    tpu.vector_store %arg4[%swap3A_14, %swap3A_15], %rsqrt3A {strides = array<i32>} : memref<10000x1xf32, #tpu.memory_space<vmem>>, vector<10000x1xf32>,
    return
  }
}

module attributes {stable_mosaic.version = 14 : i64} {
  func.func @_dense2(%arg0: memref<10000x64xf32, #tpu.memory_space<vmem>>, %arg1: memref<10000x64xf32, #tpu.memory_space<vmem>>, %arg2: memref<10000x64xf32, #tpu.memory_space<vmem>>, %arg3: memref<10000x1xf32, #tpu.memory_space<vmem>>, %arg4: memref<1x64xf32, #tpu.memory_space<vmem>>, %arg5: memref<64x16xf32, #tpu.memory_space<vmem>>, %arg6: memref<10000x16xf32, #tpu.memory_space<vmem>>) attributes {dimension_semantics = [], scalar_prefetch = 0 : i64, scratch_operands = 0 : i64, tpu.core_type = #tpu.core_type<tc>} {
    %get3A = arith.constant 0 : index
    %get3A_0 = arith.constant 0 : index
    %get3A_1 = vector.load %arg3[%get3A, %get3A_0] : memref<10000x1xf32, #tpu.memory_space<vmem>>, vector<10000x1xf32>
    %get3A_2 = arith.constant 0 : index
    %get3A_3 = arith.constant 0 : index
    %get3A_4 = vector.load %arg0[%get3A_2, %get3A_3] : memref<10000x64xf32, #tpu.memory_space<vmem>>, vector<10000x64xf32>
    %get3A_5 = arith.constant 0 : index
    %get3A_6 = arith.constant 0 : index
    %get3A_7 = vector.load %arg1[%get3A_5, %get3A_6] : memref<10000x64xf32, #tpu.memory_space<vmem>>, vector<10000x64xf32>
    %add3A = arith.addf %get3A_4, %get3A_7 : vector<10000x64xf32>
    %get3A_8 = arith.constant 0 : index
    %get3A_9 = arith.constant 0 : index
    %get3A_10 = vector.load %arg2[%get3A_8, %get3A_9] : memref<10000x64xf32, #tpu.memory_space<vmem>>, vector<10000x64xf32>
    %add3A_11 = arith.addf %add3A, %get3A_10 : vector<10000x64xf32>
    %mul3A = vector.broadcast %get3A_1 : vector<10000x1xf32> to vector<10000x64xf32>
    %mul3A_12 = arith.mulf %mul3A, %add3A_11 : vector<10000x64xf32>
    %get3A_13 = arith.constant 0 : index
    %get3A_14 = arith.constant 0 : index
    %get3A_15 = vector.load %arg4[%get3A_13, %get3A_14] : memref<1x64xf32, #tpu.memory_space<vmem>>, vector<1x64xf32>
    %add3A_16 = vector.broadcast %get3A_15 : vector<1x64xf32> to vector<10000x64xf32>
    %add3A_17 = arith.addf %mul3A_12, %add3A_16 : vector<10000x64xf32>
    %max3A = arith.constant 0.000000e+00 : f32
    %max3A_18 = vector.broadcast %max3A : f32 to vector<10000x64xf32>
    %max3A_19 = arith.maximumf %add3A_17, %max3A_18 : vector<10000x64xf32>
    %get3A_20 = arith.constant 0 : index
    %get3A_21 = arith.constant 0 : index
    %get3A_22 = vector.load %arg5[%get3A_20, %get3A_21] : memref<64x16xf32, #tpu.memory_space<vmem>>, vector<64x16xf32>
    %dot_general3A = arith.constant dense<0.000000e+00> : vector<10000x16xf32>
    %dot_general3A_23 = tpu.matmul %max3A_19, %get3A_22, %dot_general3A {dimension_numbers = #tpu.dot_dimension_numbers<[1], [0], [0], [1], [0, 0, 1, 1], [], []>, transpose_lhs_hint = false} : vector<10000x64xf32>, vector<64x16xf32>, vector<10000x16xf32> -> vector<10000x16xf32>
    %mul3A_24 = vector.broadcast %get3A_1 : vector<10000x1xf32> to vector<10000x16xf32>
    %mul3A_25 = arith.mulf %dot_general3A_23, %mul3A_24 : vector<10000x16xf32>
    %swap3A = arith.constant 0 : index
    %swap3A_26 = arith.constant 0 : index
    %swap3A_27 = vector.load %arg6[%swap3A, %swap3A_26] : memref<10000x16xf32, #tpu.memory_space<vmem>>, vector<10000x16xf32>
    tpu.vector_store %arg6[%swap3A, %swap3A_26], %mul3A_25 {strides = array<i32>} : memref<10000x16xf32, #tpu.memory_space<vmem>>, vector<10000x16xf32>,
    return
  }
}

module attributes {stable_mosaic.version = 14 : i64} {
  func.func @_dense3(%arg0: memref<10000x16xf32, #tpu.memory_space<vmem>>, %arg1: memref<10000x16xf32, #tpu.memory_space<vmem>>, %arg2: memref<10000x16xf32, #tpu.memory_space<vmem>>, %arg3: memref<10000x1xf32, #tpu.memory_space<vmem>>, %arg4: memref<1x16xf32, #tpu.memory_space<vmem>>, %arg5: memref<10000x10xf32, #tpu.memory_space<vmem>>) attributes {dimension_semantics = [], scalar_prefetch = 0 : i64, scratch_operands = 0 : i64, tpu.core_type = #tpu.core_type<tc>} {
    %get3A = arith.constant 0 : index
    %get3A_0 = arith.constant 0 : index
    %get3A_1 = vector.load %arg3[%get3A, %get3A_0] : memref<10000x1xf32, #tpu.memory_space<vmem>>, vector<10000x1xf32>
    %get3A_2 = arith.constant 0 : index
    %get3A_3 = arith.constant 0 : index
    %get3A_4 = vector.load %arg0[%get3A_2, %get3A_3] : memref<10000x16xf32, #tpu.memory_space<vmem>>, vector<10000x16xf32>
    %get3A_5 = arith.constant 0 : index
    %get3A_6 = arith.constant 0 : index
    %get3A_7 = vector.load %arg1[%get3A_5, %get3A_6] : memref<10000x16xf32, #tpu.memory_space<vmem>>, vector<10000x16xf32>
    %add3A = arith.addf %get3A_4, %get3A_7 : vector<10000x16xf32>
    %get3A_8 = arith.constant 0 : index
    %get3A_9 = arith.constant 0 : index
    %get3A_10 = vector.load %arg2[%get3A_8, %get3A_9] : memref<10000x16xf32, #tpu.memory_space<vmem>>, vector<10000x16xf32>
    %add3A_11 = arith.addf %add3A, %get3A_10 : vector<10000x16xf32>
    %mul3A = vector.broadcast %get3A_1 : vector<10000x1xf32> to vector<10000x16xf32>
    %mul3A_12 = arith.mulf %mul3A, %add3A_11 : vector<10000x16xf32>
    %get3A_13 = arith.constant 0 : index
    %get3A_14 = arith.constant 0 : index
    %get3A_15 = vector.load %arg4[%get3A_13, %get3A_14] : memref<1x16xf32, #tpu.memory_space<vmem>>, vector<1x16xf32>
    %add3A_16 = vector.broadcast %get3A_15 : vector<1x16xf32> to vector<10000x16xf32>
    %add3A_17 = arith.addf %mul3A_12, %add3A_16 : vector<10000x16xf32>
    %iota3A = tpu.iota {dimensions = array<i32: 1>} : vector<10000x16xi32>
    %lt3A = arith.constant 10 : i32
    %lt3A_18 = vector.broadcast %lt3A : i32 to vector<10000x16xi32>
    %lt3A_19 = arith.cmpi slt, %iota3A, %lt3A_18 : vector<10000x16xi32>
    %jit3A = arith.constant -1.000000e+30 : f32
    %broadcast_in_dim3A = vector.broadcast %jit3A : f32 to vector<10000x16xf32>
    %select_n3A = arith.select %lt3A_19, %add3A_17, %broadcast_in_dim3A : vector<10000x16xi1>, vector<10000x16xf32>
    %reduce_max3A = arith.constant dense<0xFF800000> : vector<10000xf32>
    %reduce_max3A_20 = vector.multi_reduction <maximumf>, %select_n3A, %reduce_max3A [1] : vector<10000x16xf32> to vector<10000xf32>
    %broadcast_in_dim3A_21 = vector.shape_cast %reduce_max3A_20 : vector<10000xf32> to vector<10000x1xf32>
    %sub3A = vector.broadcast %broadcast_in_dim3A_21 : vector<10000x1xf32> to vector<10000x16xf32>
    %sub3A_22 = arith.subf %add3A_17, %sub3A : vector<10000x16xf32>
    %exp3A = math.exp %sub3A_22 : vector<10000x16xf32>
    %jit3A_23 = arith.constant 0.000000e+00 : f32
    %broadcast_in_dim3A_24 = vector.broadcast %jit3A_23 : f32 to vector<10000x16xf32>
    %select_n3A_25 = arith.select %lt3A_19, %exp3A, %broadcast_in_dim3A_24 : vector<10000x16xi1>, vector<10000x16xf32>
    %reduce_sum3A = arith.constant dense<0.000000e+00> : vector<10000xf32>
    %reduce_sum3A_26 = vector.multi_reduction <add>, %select_n3A_25, %reduce_sum3A [1] : vector<10000x16xf32> to vector<10000xf32>
    %broadcast_in_dim3A_27 = vector.shape_cast %reduce_sum3A_26 : vector<10000xf32> to vector<10000x1xf32>
    %log3A = math.log %broadcast_in_dim3A_27 : vector<10000x1xf32>
    %add3A_28 = arith.addf %broadcast_in_dim3A_21, %log3A : vector<10000x1xf32>
    %sub3A_29 = vector.broadcast %add3A_28 : vector<10000x1xf32> to vector<10000x16xf32>
    %sub3A_30 = arith.subf %add3A_17, %sub3A_29 : vector<10000x16xf32>
    %slice3A = vector.extract_strided_slice %sub3A_30 {offsets = [0, 0], sizes = [10000, 10], strides = [1, 1]} : vector<10000x16xf32> to vector<10000x10xf32>
    %swap3A = arith.constant 0 : index
    %swap3A_31 = arith.constant 0 : index
    %swap3A_32 = vector.load %arg5[%swap3A, %swap3A_31] : memref<10000x10xf32, #tpu.memory_space<vmem>>, vector<10000x10xf32>
    tpu.vector_store %arg5[%swap3A, %swap3A_31], %slice3A {strides = array<i32>} : memref<10000x10xf32, #tpu.memory_space<vmem>>, vector<10000x10xf32>,
    return
  }
}

</mosaic_0001>

<sc_bundles>
// kernel: kernel.12.cloned.1.call-start
scs
__scs_entry_jumppad:
0x0: {  	(pc) =	sbr.rel $0x88, $3  }
0x1: {  	(tag) =	ssettag $0x0;
	lr =	simm.s32 $0x1  }
0x2: {  	[smem:$0x3F9B] =	sst lr;
	_ =	strace $0xD0000000  }
0x3: {  	_ = 	snop  }
0x4: {  	_ = 	snop  }
0x5: {  	_ = 	snop  }
0x6: {  	_ = 	snop  }
0x7: {  	_ = 	snop  }
__scs_overlays_trampoline_lowered:
0x8: {  	[smem:$0x3FAA] =	sst s0  }
0x9: {  	[smem:$0x3FAB] =	sst s1  }
0xa: {  	[smem:$0x3FAC] =	sst s2  }
0xb: {  	[smem:$0x3FAD] =	sst s3  }
0xc: {  	[smem:$0x3FAE] =	sst s4  }
0xd: {  	[smem:$0x3FAF] =	sst s5  }
0xe: {  	[smem:$0x3FB0] =	sst s6  }
0xf: {  	[smem:$0x3FB1] =	sst s7  }
0x10: {  	[smem:$0x3FB2] =	sst s8  }
0x11: {  	[smem:$0x3FB3] =	sst s9;
	s0 =	simm.s32 @!p0 $0x0  }
0x12: {  	s1 =	sld [smem:$0x3F99];
	s0 =	simm.s32 @p0 $0x1  }
0x13: {  	[smem:$0x3FB4] =	sst s0;
	s0 =	simm.s32 @!p1 $0x0  }
0x14: {  	s2 =	sld [smem:$0x3F98];
	s0 =	simm.s32 @p1 $0x1  }
0x15: {  	[smem:$0x3FB5] =	sst s0;
	s0 =	simm.s32 @!p2 $0x0  }
0x16: {  	s3 =	sld [smem:$0x3FDB];
	s0 =	simm.s32 @p2 $0x1  }
0x17: {  	s4 =	simm.s32 $0x1BF5;
	[smem:$0x3FB7] =	sst s0  }
0x18: {  	s0 =	sld [smem:$0x3F9A];
	_ =	swait.ge [sflag:s4], $0x0  }
0x19: {  	s7 =	sld [smem:$0x3F9B]  }
0x1a: {  	s8 =	sadd.s32 $0xFFFFE003, lr  }
0x1b: {  	s9 =	sadd.s32 $0xFFFFFEF7, lr;
	s5 =	simm.s32 $0xFFFFFFFF;
	p2 =	slt.u32 s8, $0xFFFFF086  }
0x1c: {  	p1 =	slt.u32 s9, $0xF7A;
	s5 =	simm.s32 @!p2 $0x0  }
0x1d: {  	s5 =	simm.s32 @p1 $0x1;
	p0 =	seq.s32 s7, s2  }
0x1e: {  	s7 =	smul.u32 @!p0 $0xF7A, s2;
	p2 =	seq.s32 @!p0 s5, $0x0  }
0x1f: {  	s9 =	smul.u32 $0xF7A, s1;
	s8 =	simm.s32 @!p0 $0x1BF5;
	p2 =	por !p2, p0  }
0x20: {  	[sflag:s8] =	ssyncset.s32 @!p0 $0xFFFFF086;
	s6 =	sadd.s32 @!p0 s3, s7;
	s7 =	simm.s32 @!p0 $0x108  }
0x21: {  	s3 =	sadd.s32 s3, s9;
	s6 =	sadd.s32 @!p0 $0x88, s6;
	s7 =	simm.s32 @p2 $0x1082  }
0x22: {  	[simem:s7], [sflag:s8] =	dma.local @!p0 [hbm:s6], $0xF7A  }
0x23: {  	s9 =	sor.u32 $0xD0000000, s2;
	s6 =	simm.s32 $0x108;
	_ =	swait.ge @!p0 [sflag:s8], $0x0  }
0x24: {  	s3 =	sadd.s32 $0x88, s3;
	s6 =	simm.s32 @!p1 $0x1082;
	[sflag:s4] =	ssyncset.s32 $0xFFFFF086  }
0x25: {  	[simem:s6], [sflag:s4] =	dma.local [hbm:s3], $0xF7A  }
0x26: {  	[smem:$0x3F9B] =	sst s1;
	(tag) =	ssettag s2;
	_ =	strace s9  }
0x27: {  	s1 =	sld [smem:$0x3FAB]  }
0x28: {  	s2 =	sld [smem:$0x3FAC]  }
0x29: {  	s4 =	sld [smem:$0x3FAE]  }
0x2a: {  	p0 =	seq.s32 s5, $0x0;
	s5 =	sld [smem:$0x3FAF]  }
0x2b: {  	s6 =	sld [smem:$0x3FB0]  }
0x2c: {  	s7 =	sld [smem:$0x3FB1]  }
0x2d: {  	s3 =	simm.s32 $0x108;
	s8 =	sld [smem:$0x3FB2]  }
0x2e: {  	s3 =	simm.s32 @!p0 $0x1082;
	s9 =	sld [smem:$0x3FB3]  }
0x2f: {  	lr =	sadd.s32 s0, s3;
	s0 =	sld [smem:$0x3FAA]  }
0x30: {  	s3 =	sld [smem:$0x3FAD]  }
0x31: {  	[smem:$0x3FB6] =	sst s10  }
0x32: {  	s10 =	sld [smem:$0x3FB4];
	_ =	sdelay $0x3  }
0x33: {  	p0 =	seq.s32 s10, $0x1;
	s10 =	sld [smem:$0x3FB6];
	_ =	sdelay $0x3  }
0x34: {  	[smem:$0x3FB6] =	sst s10  }
0x35: {  	s10 =	sld [smem:$0x3FB5];
	_ =	sdelay $0x3  }
0x36: {  	p1 =	seq.s32 s10, $0x1;
	s10 =	sld [smem:$0x3FB6];
	_ =	sdelay $0x3  }
0x37: {  	[smem:$0x3FB6] =	sst s10  }
0x38: {  	s10 =	sld [smem:$0x3FB7]  }
0x39: {  	_ = 	snop;
	(pc) =	sbr.ind lr, $3  }
0x3a: {  	_ = 	snop  }
0x3b: {  	_ = 	snop  }
0x3c: {  	p2 =	seq.s32 s10, $0x1;
	s10 =	sld [smem:$0x3FB6]  }
0x3d: {  	_ =	shalt  }
0x3e: {  	_ =	shalt  }
0x3f: {  	_ =	shalt  }
0x40: {  	_ =	shalt  }
0x41: {  	_ =	shalt  }
0x42: {  	_ =	shalt  }
0x43: {  	_ =	shalt  }
0x44: {  	_ =	shalt  }
0x45: {  	_ =	shalt  }
0x46: {  	_ =	shalt  }
0x47: {  	_ =	shalt  }
0x48: {  	_ =	shalt  }
0x49: {  	_ =	shalt  }
0x4a: {  	_ =	shalt  }
0x4b: {  	_ =	shalt  }
0x4c: {  	_ =	shalt  }
0x4d: {  	_ =	shalt  }
0x4e: {  	_ =	shalt  }
0x4f: {  	_ =	shalt  }
0x50: {  	_ =	shalt  }
0x51: {  	_ =	shalt  }
0x52: {  	_ =	shalt  }
0x53: {  	_ =	shalt  }
0x54: {  	_ =	shalt  }
0x55: {  	_ =	shalt  }
0x56: {  	_ =	shalt  }
0x57: {  	_ =	shalt  }
0x58: {  	_ =	shalt  }
0x59: {  	_ =	shalt  }
0x5a: {  	_ =	shalt  }
0x5b: {  	_ =	shalt  }
0x5c: {  	_ =	shalt  }
0x5d: {  	_ =	shalt  }
0x5e: {  	_ =	shalt  }
0x5f: {  	_ =	shalt  }
0x60: {  	_ =	shalt  }
0x61: {  	_ =	shalt  }
0x62: {  	_ =	shalt  }
0x63: {  	_ =	shalt  }
0x64: {  	_ =	shalt  }
0x65: {  	_ =	shalt  }
0x66: {  	_ =	shalt  }
0x67: {  	_ =	shalt  }
0x68: {  	_ =	shalt  }
0x69: {  	_ =	shalt  }
0x6a: {  	_ =	shalt  }
0x6b: {  	_ =	shalt  }
0x6c: {  	_ =	shalt  }
0x6d: {  	_ =	shalt  }
0x6e: {  	_ =	shalt  }
0x6f: {  	_ =	shalt  }
0x70: {  	_ =	shalt  }
0x71: {  	_ =	shalt  }
0x72: {  	_ =	shalt  }
0x73: {  	_ =	shalt  }
0x74: {  	_ =	shalt  }
0x75: {  	_ =	shalt  }
0x76: {  	_ =	shalt  }
0x77: {  	_ =	shalt  }
0x78: {  	_ =	shalt  }
0x79: {  	_ =	shalt  }
0x7a: {  	_ =	shalt  }
0x7b: {  	_ =	shalt  }
0x7c: {  	_ =	shalt  }
0x7d: {  	_ =	shalt  }
0x7e: {  	_ =	shalt  }
0x7f: {  	_ =	shalt  }
0x80: {  	_ =	shalt  }
0x81: {  	_ =	shalt  }
0x82: {  	_ =	shalt  }
0x83: {  	_ =	shalt  }
0x84: {  	_ =	shalt  }
0x85: {  	_ =	shalt  }
0x86: {  	_ =	shalt  }
0x87: {  	_ =	shalt  }
.Lfunc_end0:
.L_simem_size_0:
called_computation.1_lowered:
.L_overlay_start_0:
0x88: {  	s2 =	sld [smem:$0x3FD9]  }
0x89: {  	s3 =	sld [smem:$0x3FFE];
	_ =	sdelay $0x1  }
0x8a: {  	s1 =	srdreg.scid  }
0x8b: {  	s0 =	sand.u32 $0x1, s1  }
0x8c: {  	s17 =	sshll.u32 s0, $0xA;
	s2 =	sadd.s32 s3, s2  }
0x8d: {  	s2 =	sadd.s32 s2, s17  }
0x8e: {  	[smem:$0x3FC2] =	sst s2  }
0x8f: {  	_ = 	snop  }
0x90: {  	s2 =	sld [smem:$0x3FC8];
	(tm) =	ssettm $0x1  }
0x91: {  	s18 =	sld [smem:$0x3FFB];
	_ =	sdelay $0x3  }
0x92: {  	_ =	strace s18  }
0x93: {  	s3 =	sld [smem:$0x3FFC];
	_ =	sdelay $0x3  }
0x94: {  	_ =	strace s3  }
0x95: {  	s3 =	sld [smem:$0x3FFD];
	_ =	sdelay $0x3  }
0x96: {  	_ =	strace s3  }
0x97: {  	_ =	strace $0x8FFFFFFF  }
0x98: {  	s19 =	sld [smem:$0x3FDB];
	_ =	sdelay $0x1  }
0x99: {  	s4 =	simm.s32 $_scs_section_size  }
0x9a: {  	s5 =	simm.s32 $_size__tile_overlayer_lowered;
	s6 =	simm.s32 $_tile_overlayer_lowered  }
0x9b: {  	s22 =	simm.s32 $0x1BFF;
	s21 =	sshll.u32 s6, $0x1;
	s3 =	sadd.s32 s4, s19  }
0x9c: {  	s7 =	simm.s32 $0x0;
	s20 =	sshll.u32 s5, $0x1;
	s5 =	sadd.s32 s21, s3  }
0x9d: {  	[timem:s7], [sflag:s22] =	dma.local [hbm:s5], s20  }
0x9e: {  	_ =	swait.ge [sflag:s22], s20  }
0x9f: {  	s4 =	ssub.s32 $0x0, s20;
	[sflag:s22] =	ssyncset.done $0x0  }
0xa0: {  	[sflag:s22] =	ssyncadd.s32 s4;
	_ =	sdelay $0x1  }
0xa1: {  	s23 =	simm.s32 $0x1B8B  }
0xa2: {  	_ =	swait.ge [sflag:s23], $0x1  }
0xa3: {  	[sflag:s23] =	ssyncset.done $0x0  }
0xa4: {  	s25 =	simm.s32 $0x1B8E;
	s24 =	sld [smem:$0x3FFE];
	[sflag:s23] =	ssyncadd.s32 $0xFFFFFFFF  }
0xa5: {  	s26 =	simm.s32 $execute0_lowered;
	[smem:$0x3FD2] =	sst s25  }
0xa6: {  	s5 =	sshll.u32 s26, $0x1;
	_ =	strace $0x80000049;
	[dreg:$0x1] =	wrdreg $0xFFFFFFFF  }
0xa7: {  	s28 =	simm.s32 $_size_execute0_lowered;
	s3 =	sadd.s32 s3, s5;
	[dreg:$0x0] =	wrdreg $0x0  }
0xa8: {  	s5 =	sshll.u32 s28, $0x1;
	[dreg:$0x2] =	wrdreg s3  }
0xa9: {  	[dreg:$0x3] =	wrdreg s5  }
0xaa: {  	[dreg:$0x4] =	wrdreg $0xC0  }
0xab: {  	_ =	task [dreg:s7], $0x5FFFF  }
0xac: {  	[dreg:$0x1] =	wrdreg $0xFFFFFFFF  }
0xad: {  	[dreg:$0x0] =	wrdreg $0x60  }
0xae: {  	[dreg:$0x2] =	wrdreg s24  }
0xaf: {  	[dreg:$0x3] =	wrdreg s2  }
0xb0: {  	[dreg:$0x4] =	wrdreg $0x8F000  }
0xb1: {  	[dreg:$0x5] =	wrdreg $0x12B400  }
0xb2: {  	[dreg:$0x6] =	wrdreg $0x9  }
0xb3: {  	_ =	task.clear_ibuf [dreg:s7], $0x7FFFF;
	_ =	strace $0x90000049  }
0xb4: {  	s29 =	simm.s32 $0x9;
	_ =	strace $0x8000004B  }
0xb5: {  	_ =	swait.ge [sflag:s29], $0x1  }
0xb6: {  	[sflag:s29] =	ssyncadd.s32 $0xFFFFFFFF  }
0xb7: {  	_ =	strace $0x9000004B  }
0xb8: {  	_ =	sfence  }
0xb9: {  	s30 =	sld [smem:$0x0];
	_ =	sdelay $0x2  }
0xba: {  	s31 =	sshll.u32 s1, $0xD;
	s1 =	sshrl.u32 s1, $0x2  }
0xbb: {  	s3 =	sand.u32 $0x4000, s31;
	s1 =	sadd.s32 s1, s30  }
0xbc: {  	s0 =	sor.u32 s3, s0;
	s1 =	sshll.u32 s1, $0x11  }
0xbd: {  	s0 =	sor.u32 s1, s0  }
0xbe: {  	s0 =	sadd.s32 $0x8F2B, s0  }
0xbf: {  	[sflag:s0] =	ssyncadd.remote.s32 $0x1  }
0xc0: {  	_ =	sfence.sel $0xFFFF  }
0xc1: {  	[dreg:$0x0] =	wrdreg $0xFFFFFFFF;
	(pc) =	sbr.abs _section_cstart, $3  }
0xc2: {  	[dreg:$0x1] =	wrdreg $0xFFFFFFFF  }
0xc3: {  	_ =	task.clear_ibuf [dreg:s7], $0x2FFFF;
	_ =	strace $0x9FFFFFFF  }
0xc4: {  	(tm) =	ssettm $0x7FFFFFFF  }
0xc5: {  	_ =	shalt  }
tec
execute0_lowered:
.L_overlay_start_1:
0x0: {  	(tag) =	ssettag $0x1  }
0x1: {  	s5 =	rddreg [dreg:$0x0]  }
0x2: {  	s8 =	rddreg [dreg:$0x1]  }
0x3: {  	s2 =	rddreg [dreg:$0x2]  }
0x4: {  	s3 =	rddreg [dreg:$0x3]  }
0x5: {  	s0 =	rddreg [dreg:$0x4];
	s4 =	simm.s32 $0x0;
	s1 =	stileid.u32  }
0x6: {  	s6 =	srdreg.scid;
	s16 =	simm.s32 $0x51800;
	s17 =	simm.s32 $0x4F00  }
0x7: {  	s18 =	simm.s32 $0x100;
	s19 =	simm.s32 $0x6F00;
	s20 =	simm.s32 $0x1  }
0x8: {  	s21 =	simm.s32 $0x2;
	s22 =	simm.s32 $0x3;
	s23 =	simm.s32 $0x4  }
0x9: {  	s25 =	simm.s32 $0x4D80;
	s26 =	simm.s32 $0x0;
	[smem:$0x7FF] =	sst s4  }
0xa: {  	s7 =	smul.u32 $0x9C40, s1;
	s9 =	sand.u32 $0x1, s6;
	s30 =	sshll.u32 s1, $0x6  }
0xb: {  	_ =	strace $0x8000004A;
	s6 =	ssub.s32 $0x2, s9;
	s12 =	sshll.u32 s9, $0x4  }
0xc: {  	p0 =	seq.s32 s9, $0x1;
	s10 =	sshrl.u32 s7, $0x3;
	s11 =	sshrl.u32 s6, $0x1  }
0xd: {  	s24 =	sor.u32 s1, s12;
	s29 =	sadd.s32 s7, s2;
	s14 =	sadd.s32 s7, s3  }
0xe: {  	s16 =	simm.s32 @!p0 $0x65200;
	s13 =	sadd.s32 s10, s5;
	s28 =	ssub.s32 s6, s11  }
0xf: {  	s6 =	sor.u32 $0x1C05, s30;
	s31 =	smin.u32 s24, $0x3;
	s15 =	smul.u32 $0x9C0, s24  }
0x10: {  	s12 =	sshrl.u32 s29, $0x3;
	s14 =	sshrl.u32 s14, $0x3;
	p0 =	sgt.u32 s24, $0x3  }
0x11: {  	s24 =	simm.s32 $0x4C80;
	s5 =	sadd.s32 $0x3DE00, s13;
	s11 =	sshll.u32 s31, $0x5  }
0x12: {  	s7 =	sadd.s32 $0x2A400, s13;
	s10 =	smax.u32 s28, $0x1;
	s11 =	sadd.s32 s11, s8  }
0x13: {  	s8 =	sadd.s32 s8, s15;
	s15 =	simm.s32 $0x4E00;
	s9 =	sadd.s32 $0x13800, s11  }
0x14: {  	s11 =	sadd.s32 s16, s13;
	s13 =	simm.s32 $0x5;
	s16 =	simm.s32 $0x80  }
.LBB2_1:
0x15: {  	[spmem:s12], [sflag:s6] =	dma.local [hbm:s5], $0x1388  }
0x16: {  	_ =	swait.ge [sflag:s13], $0x1388  }
0x17: {  	[sflag:s13] =	ssyncset.done $0x0  }
0x18: {  	[sflag:s13] =	ssyncadd.s32 $0xFFFFEC78  }
0x19: {  	[spmem:s14], [sflag:s6] =	dma.local [hbm:s7], $0x1388  }
0x1a: {  	_ =	swait.ge [sflag:s13], $0x1388  }
0x1b: {  	[sflag:s13] =	ssyncset.done $0x0  }
0x1c: {  	[sflag:s13] =	ssyncadd.s32 $0xFFFFEC78  }
0x1d: {  	[tilespmem:s4], [sflag:$0x5] =	stream.linear.gather [hbm4b:s8+s4], $0x4E00, $0x38;
	[tilespmem:$0x1C780] =	vst v63  }
0x1e: {  	_ =	swait.ge [sflag:s13], $0x4E00  }
0x1f: {  	[sflag:s13] =	ssyncset.done $0x0  }
0x20: {  	[sflag:s13] =	ssyncadd.s32 $0xFFFFB200  }
0x21: {  	[tilespmem:s15], [sflag:$0x5] =	stream.linear.gather [hbm4b:s9+s4], $0x100, $0x38;
	[tilespmem:$0x1C780] =	vst v63  }
0x22: {  	_ =	swait.ge [sflag:s13], $0x100  }
0x23: {  	[sflag:s13] =	ssyncset.done $0x0  }
0x24: {  	[sflag:s13] =	ssyncadd.s32 $0xFFFFFF00  }
0x25: {  	[bflag:$0x0] =	sbarrier.arrive $0xFFFF  }
0x26: {  	[tilespmem:s17], [sflag:$0x1] =	stream.indirect.gather [spmem:s3], $0x40, s4, s16, $0xb8;
	[tilespmem:$0x1C780] =	vst v63  }
0x27: {  	_ = 	snop  }
0x28: {  	[tilespmem:s19], [sflag:$0x2] =	stream.indirect.gather [spmem:s3], $0x40, s18, s16, $0xb8;
	[tilespmem:$0x1C780] =	vst v63  }
0x29: {  	_ =	swait.ge [sflag:s20], $0x2000  }
0x2a: {  	[sflag:s20] =	ssyncset.done $0x0  }
0x2b: {  	s28 =	simm.s32 $0x80;
	[sflag:s20] =	ssyncadd.s32 $0xFFFFE000  }
0x2c: {  	[spmem:s2] =	stream.indirect.scatter.add.f32 [tilespmem:s17], [sflag:$0x3], $0x40, s28, s16, $0xb8;
	[tilespmem:$0x1C780] =	vst v63  }
0x2d: {  	_ =	swait.ge [sflag:s21], $0x2000  }
0x2e: {  	[sflag:s21] =	ssyncset.done $0x0  }
0x2f: {  	s28 =	simm.s32 $0x180;
	[sflag:s21] =	ssyncadd.s32 $0xFFFFE000  }
0x30: {  	[spmem:s2] =	stream.indirect.scatter.add.f32 [tilespmem:s19], [sflag:$0x4], $0x40, s28, s16, $0xb8;
	[tilespmem:$0x1C780] =	vst v63  }
0x31: {  	_ =	swait.ge [sflag:s22], $0x2000  }
0x32: {  	[sflag:s22] =	ssyncset.done $0x0  }
0x33: {  	s28 =	simm.s32 $0x200;
	[sflag:s22] =	ssyncadd.s32 $0xFFFFE000  }
0x34: {  	[tilespmem:s17], [sflag:$0x1] =	stream.indirect.gather [spmem:s3], $0x40, s28, s16, $0xb8;
	[tilespmem:$0x1C780] =	vst v63  }
0x35: {  	_ =	swait.ge [sflag:s23], $0x2000  }
0x36: {  	[sflag:s23] =	ssyncset.done $0x0  }
0x37: {  	s29 =	simm.s32 $0x300;
	s28 =	simm.s32 $0xFFFED800;
	[sflag:s23] =	ssyncadd.s32 $0xFFFFE000  }
.LBB2_2:
0x38: {  	[tilespmem:s19], [sflag:$0x2] =	stream.indirect.gather [spmem:s3], $0x40, s29, s16, $0xb8;
	[tilespmem:$0x1C780] =	vst v63  }
0x39: {  	s29 =	smov.u32 s28  }
0x3a: {  	p1 =	sne.s32 s28, $0xFFFFF800;
	s28 =	sadd.s32 $0x800, s28;
	_ =	swait.ge [sflag:s20], $0x2000  }
0x3b: {  	s29 =	sshra.s32 s29, $0x2;
	[sflag:s20] =	ssyncset.done $0x0  }
0x3c: {  	s30 =	sadd.s32 $0x4C80, s29;
	[sflag:s20] =	ssyncadd.s32 $0xFFFFE000  }
0x3d: {  	[spmem:s2] =	stream.indirect.scatter.add.f32 [tilespmem:s17], [sflag:$0x3], $0x40, s30, s16, $0xb8;
	[tilespmem:$0x1C780] =	vst v63  }
0x3e: {  	_ =	swait.ge [sflag:s21], $0x2000  }
0x3f: {  	[sflag:s21] =	ssyncset.done $0x0  }
0x40: {  	s30 =	sadd.s32 $0x4D80, s29;
	[sflag:s21] =	ssyncadd.s32 $0xFFFFE000  }
0x41: {  	[spmem:s2] =	stream.indirect.scatter.add.f32 [tilespmem:s19], [sflag:$0x4], $0x40, s30, s16, $0xb8;
	[tilespmem:$0x1C780] =	vst v63  }
0x42: {  	_ =	swait.ge [sflag:s22], $0x2000  }
0x43: {  	[sflag:s22] =	ssyncset.done $0x0  }
.Ltmp0:
0x44: {  	s30 =	sadd.s32 $0x4E00, s29;
	[sflag:s22] =	ssyncadd.s32 $0xFFFFE000;
	(pc) =	sbr.rel @p1 .LBB2_2-.Ltmp0, $4  }
0x45: {  	[tilespmem:s17], [sflag:$0x1] =	stream.indirect.gather [spmem:s3], $0x40, s30, s16, $0xb8;
	[tilespmem:$0x1C780] =	vst v63  }
0x46: {  	_ =	swait.ge [sflag:s23], $0x2000  }
0x47: {  	[sflag:s23] =	ssyncset.done $0x0  }
0x48: {  	s29 =	sadd.s32 $0x4F00, s29;
	[sflag:s23] =	ssyncadd.s32 $0xFFFFE000  }
0x49: {  	[tilespmem:s19], [sflag:$0x2] =	stream.indirect.gather [spmem:s3], $0x40, s29, s16, $0xb8;
	[tilespmem:$0x1C780] =	vst v63  }
0x4a: {  	_ =	swait.ge [sflag:s20], $0x2000  }
0x4b: {  	[sflag:s20] =	ssyncset.done $0x0  }
0x4c: {  	[sflag:s20] =	ssyncadd.s32 $0xFFFFE000  }
0x4d: {  	[spmem:s2] =	stream.indirect.scatter.add.f32 [tilespmem:s17], [sflag:$0x3], $0x40, s24, s16, $0xb8;
	[tilespmem:$0x1C780] =	vst v63  }
0x4e: {  	_ =	swait.ge [sflag:s21], $0x2000  }
0x4f: {  	[sflag:s21] =	ssyncset.done $0x0  }
0x50: {  	[sflag:s21] =	ssyncadd.s32 $0xFFFFE000  }
0x51: {  	[spmem:s2] =	stream.indirect.scatter.add.f32 [tilespmem:s19], [sflag:$0x4], $0x40, s25, s16, $0xb8;
	[tilespmem:$0x1C780] =	vst v63  }
0x52: {  	_ =	swait.ge [sflag:s22], $0x2000  }
0x53: {  	[sflag:s22] =	ssyncset.done $0x0  }
0x54: {  	[sflag:s22] =	ssyncadd.s32 $0xFFFFE000  }
0x55: {  	_ =	swait.ge [sflag:s23], $0x2000  }
0x56: {  	s28 =	simm.s32 @!p0 $0x80;
	[sflag:s23] =	ssyncset.done $0x0  }
0x57: {  	s29 =	simm.s32 @!p0 $0x4E00;
	s30 =	simm.s32 @!p0 $0x4F00;
	[sflag:s23] =	ssyncadd.s32 $0xFFFFE000  }
0x58: {  	[tilespmem:s30], [sflag:$0x1] =	stream.indirect.gather @!p0 [spmem:s3], $0x40, s29, s28, $0xb8;
	[tilespmem:$0x1C780] =	vst v63  }
0x59: {  	s29 =	simm.s32 @!p0 $0x1  }
0x5a: {  	_ =	swait.ge @!p0 [sflag:s29], $0x2000  }
0x5b: {  	[sflag:s29] =	ssyncset.done @!p0 $0x0  }
0x5c: {  	[sflag:s29] =	ssyncadd.s32 @!p0 $0xFFFFE000;
	s29 =	simm.s32 @!p0 $0x4E80  }
0x5d: {  	[spmem:s2] =	stream.indirect.scatter.add.f32 @!p0 [tilespmem:s30], [sflag:$0x3], $0x40, s29, s28, $0xb8;
	[tilespmem:$0x1C780] =	vst v63  }
0x5e: {  	s28 =	simm.s32 @!p0 $0x3  }
0x5f: {  	_ =	swait.ge @!p0 [sflag:s28], $0x2000  }
0x60: {  	s26 =	sadd.s32 $0x1, s26;
	[sflag:s28] =	ssyncset.done @!p0 $0x0  }
0x61: {  	p1 =	sne.s32 s26, s10;
	[sflag:s28] =	ssyncadd.s32 @!p0 $0xFFFFE000  }
.Ltmp1:
0x62: {  	[bflag:$0x0] =	sbarrier.arrive $0xFFFF;
	(pc) =	sbr.rel @p1 .LBB2_1-.Ltmp1, $4  }
0x63: {  	[hbm:s11], [sflag:s6] =	dma.local [spmem:s12], $0x1388  }
0x64: {  	_ =	swait.ge [sflag:s13], $0x1388  }
0x65: {  	[sflag:s13] =	ssyncset.done $0x0  }
0x66: {  	[sflag:s13] =	ssyncadd.s32 $0xFFFFEC78  }
0x67: {  	_ =	sfence.sel $0x180000  }
0x68: {  	[bflag:$0x0] =	sbarrier.arrive $0xFFFF  }
0x69: {  	p0 =	sne.s32 s1, $0x0;
	_ =	strace $0x9000004A  }
0x6a: {  	s0 =	sadd.s32 @!p0 $0x100000, s0;
	[bflag:$0x2] =	sbarrier.arrive $0xFFFF  }
0x6b: {  	[sflag:s0] =	ssyncadd.tile.s32 @!p0 $0x1;
	_ =	shalt  }
.Lfunc_end2:
_tile_overlayer_lowered:
.L_overlay_start_2:
0x6c: {  	(tag) =	ssettag $0x2  }
0x6d: {  	s0 =	rddreg [dreg:$0x0];
	s2 =	stileid.u32  }
0x6e: {  	s1 =	rddreg [dreg:$0x1];
	p0 =	sne.s32 s2, $0x0  }
0x6f: {  	s3 =	rddreg [dreg:$0x2];
	[bflag:$0x3] =	sbarrier.arrive $0xFFFF;
	s2 =	simm.s32 @!p0 $0x1C05  }
0x70: {  	[timem:s3], [sflag:s2] =	dma.local @!p0 [hbm:s0], s1  }
0x71: {  	s0 =	simm.s32 @!p0 $0x5  }
0x72: {  	_ =	swait.ge @!p0 [sflag:s0], s1  }
0x73: {  	s1 =	ssub.s32 @!p0 $0x0, s1;
	[sflag:s0] =	ssyncset.done @!p0 $0x0  }
0x74: {  	[sflag:s0] =	ssyncadd.s32 @!p0 s1  }
0x75: {  	[bflag:$0x3] =	sbarrier.arrive $0xFFFF  }
0x76: {  	_ =	shalt  }

// kernel: kernel.15.cloned.1.call-start
scs
__scs_entry_jumppad:
0x0: {  	(pc) =	sbr.rel $0x88, $3  }
0x1: {  	(tag) =	ssettag $0x0;
	lr =	simm.s32 $0x1  }
0x2: {  	[smem:$0x3F9B] =	sst lr;
	_ =	strace $0xD0000000  }
0x3: {  	_ = 	snop  }
0x4: {  	_ = 	snop  }
0x5: {  	_ = 	snop  }
0x6: {  	_ = 	snop  }
0x7: {  	_ = 	snop  }
__scs_overlays_trampoline_lowered:
0x8: {  	[smem:$0x3FAA] =	sst s0  }
0x9: {  	[smem:$0x3FAB] =	sst s1  }
0xa: {  	[smem:$0x3FAC] =	sst s2  }
0xb: {  	[smem:$0x3FAD] =	sst s3  }
0xc: {  	[smem:$0x3FAE] =	sst s4  }
0xd: {  	[smem:$0x3FAF] =	sst s5  }
0xe: {  	[smem:$0x3FB0] =	sst s6  }
0xf: {  	[smem:$0x3FB1] =	sst s7  }
0x10: {  	[smem:$0x3FB2] =	sst s8  }
0x11: {  	[smem:$0x3FB3] =	sst s9;
	s0 =	simm.s32 @!p0 $0x0  }
0x12: {  	s1 =	sld [smem:$0x3F99];
	s0 =	simm.s32 @p0 $0x1  }
0x13: {  	[smem:$0x3FB4] =	sst s0;
	s0 =	simm.s32 @!p1 $0x0  }
0x14: {  	s2 =	sld [smem:$0x3F98];
	s0 =	simm.s32 @p1 $0x1  }
0x15: {  	[smem:$0x3FB5] =	sst s0;
	s0 =	simm.s32 @!p2 $0x0  }
0x16: {  	s3 =	sld [smem:$0x3FDB];
	s0 =	simm.s32 @p2 $0x1  }
0x17: {  	s4 =	simm.s32 $0x1BF5;
	[smem:$0x3FB7] =	sst s0  }
0x18: {  	s0 =	sld [smem:$0x3F9A];
	_ =	swait.ge [sflag:s4], $0x0  }
0x19: {  	s7 =	sld [smem:$0x3F9B]  }
0x1a: {  	s8 =	sadd.s32 $0xFFFFE003, lr  }
0x1b: {  	s9 =	sadd.s32 $0xFFFFFEF7, lr;
	s5 =	simm.s32 $0xFFFFFFFF;
	p2 =	slt.u32 s8, $0xFFFFF086  }
0x1c: {  	p1 =	slt.u32 s9, $0xF7A;
	s5 =	simm.s32 @!p2 $0x0  }
0x1d: {  	s5 =	simm.s32 @p1 $0x1;
	p0 =	seq.s32 s7, s2  }
0x1e: {  	s7 =	smul.u32 @!p0 $0xF7A, s2;
	p2 =	seq.s32 @!p0 s5, $0x0  }
0x1f: {  	s9 =	smul.u32 $0xF7A, s1;
	s8 =	simm.s32 @!p0 $0x1BF5;
	p2 =	por !p2, p0  }
0x20: {  	[sflag:s8] =	ssyncset.s32 @!p0 $0xFFFFF086;
	s6 =	sadd.s32 @!p0 s3, s7;
	s7 =	simm.s32 @!p0 $0x108  }
0x21: {  	s3 =	sadd.s32 s3, s9;
	s6 =	sadd.s32 @!p0 $0x88, s6;
	s7 =	simm.s32 @p2 $0x1082  }
0x22: {  	[simem:s7], [sflag:s8] =	dma.local @!p0 [hbm:s6], $0xF7A  }
0x23: {  	s9 =	sor.u32 $0xD0000000, s2;
	s6 =	simm.s32 $0x108;
	_ =	swait.ge @!p0 [sflag:s8], $0x0  }
0x24: {  	s3 =	sadd.s32 $0x88, s3;
	s6 =	simm.s32 @!p1 $0x1082;
	[sflag:s4] =	ssyncset.s32 $0xFFFFF086  }
0x25: {  	[simem:s6], [sflag:s4] =	dma.local [hbm:s3], $0xF7A  }
0x26: {  	[smem:$0x3F9B] =	sst s1;
	(tag) =	ssettag s2;
	_ =	strace s9  }
0x27: {  	s1 =	sld [smem:$0x3FAB]  }
0x28: {  	s2 =	sld [smem:$0x3FAC]  }
0x29: {  	s4 =	sld [smem:$0x3FAE]  }
0x2a: {  	p0 =	seq.s32 s5, $0x0;
	s5 =	sld [smem:$0x3FAF]  }
0x2b: {  	s6 =	sld [smem:$0x3FB0]  }
0x2c: {  	s7 =	sld [smem:$0x3FB1]  }
0x2d: {  	s3 =	simm.s32 $0x108;
	s8 =	sld [smem:$0x3FB2]  }
0x2e: {  	s3 =	simm.s32 @!p0 $0x1082;
	s9 =	sld [smem:$0x3FB3]  }
0x2f: {  	lr =	sadd.s32 s0, s3;
	s0 =	sld [smem:$0x3FAA]  }
0x30: {  	s3 =	sld [smem:$0x3FAD]  }
0x31: {  	[smem:$0x3FB6] =	sst s10  }
0x32: {  	s10 =	sld [smem:$0x3FB4];
	_ =	sdelay $0x3  }
0x33: {  	p0 =	seq.s32 s10, $0x1;
	s10 =	sld [smem:$0x3FB6];
	_ =	sdelay $0x3  }
0x34: {  	[smem:$0x3FB6] =	sst s10  }
0x35: {  	s10 =	sld [smem:$0x3FB5];
	_ =	sdelay $0x3  }
0x36: {  	p1 =	seq.s32 s10, $0x1;
	s10 =	sld [smem:$0x3FB6];
	_ =	sdelay $0x3  }
0x37: {  	[smem:$0x3FB6] =	sst s10  }
0x38: {  	s10 =	sld [smem:$0x3FB7]  }
0x39: {  	_ = 	snop;
	(pc) =	sbr.ind lr, $3  }
0x3a: {  	_ = 	snop  }
0x3b: {  	_ = 	snop  }
0x3c: {  	p2 =	seq.s32 s10, $0x1;
	s10 =	sld [smem:$0x3FB6]  }
0x3d: {  	_ =	shalt  }
0x3e: {  	_ =	shalt  }
0x3f: {  	_ =	shalt  }
0x40: {  	_ =	shalt  }
0x41: {  	_ =	shalt  }
0x42: {  	_ =	shalt  }
0x43: {  	_ =	shalt  }
0x44: {  	_ =	shalt  }
0x45: {  	_ =	shalt  }
0x46: {  	_ =	shalt  }
0x47: {  	_ =	shalt  }
0x48: {  	_ =	shalt  }
0x49: {  	_ =	shalt  }
0x4a: {  	_ =	shalt  }
0x4b: {  	_ =	shalt  }
0x4c: {  	_ =	shalt  }
0x4d: {  	_ =	shalt  }
0x4e: {  	_ =	shalt  }
0x4f: {  	_ =	shalt  }
0x50: {  	_ =	shalt  }
0x51: {  	_ =	shalt  }
0x52: {  	_ =	shalt  }
0x53: {  	_ =	shalt  }
0x54: {  	_ =	shalt  }
0x55: {  	_ =	shalt  }
0x56: {  	_ =	shalt  }
0x57: {  	_ =	shalt  }
0x58: {  	_ =	shalt  }
0x59: {  	_ =	shalt  }
0x5a: {  	_ =	shalt  }
0x5b: {  	_ =	shalt  }
0x5c: {  	_ =	shalt  }
0x5d: {  	_ =	shalt  }
0x5e: {  	_ =	shalt  }
0x5f: {  	_ =	shalt  }
0x60: {  	_ =	shalt  }
0x61: {  	_ =	shalt  }
0x62: {  	_ =	shalt  }
0x63: {  	_ =	shalt  }
0x64: {  	_ =	shalt  }
0x65: {  	_ =	shalt  }
0x66: {  	_ =	shalt  }
0x67: {  	_ =	shalt  }
0x68: {  	_ =	shalt  }
0x69: {  	_ =	shalt  }
0x6a: {  	_ =	shalt  }
0x6b: {  	_ =	shalt  }
0x6c: {  	_ =	shalt  }
0x6d: {  	_ =	shalt  }
0x6e: {  	_ =	shalt  }
0x6f: {  	_ =	shalt  }
0x70: {  	_ =	shalt  }
0x71: {  	_ =	shalt  }
0x72: {  	_ =	shalt  }
0x73: {  	_ =	shalt  }
0x74: {  	_ =	shalt  }
0x75: {  	_ =	shalt  }
0x76: {  	_ =	shalt  }
0x77: {  	_ =	shalt  }
0x78: {  	_ =	shalt  }
0x79: {  	_ =	shalt  }
0x7a: {  	_ =	shalt  }
0x7b: {  	_ =	shalt  }
0x7c: {  	_ =	shalt  }
0x7d: {  	_ =	shalt  }
0x7e: {  	_ =	shalt  }
0x7f: {  	_ =	shalt  }
0x80: {  	_ =	shalt  }
0x81: {  	_ =	shalt  }
0x82: {  	_ =	shalt  }
0x83: {  	_ =	shalt  }
0x84: {  	_ =	shalt  }
0x85: {  	_ =	shalt  }
0x86: {  	_ =	shalt  }
0x87: {  	_ =	shalt  }
.Lfunc_end0:
.L_simem_size_0:
called_computation.2_lowered:
.L_overlay_start_0:
0x88: {  	s2 =	sld [smem:$0x3FD9]  }
0x89: {  	s3 =	sld [smem:$0x3FFE];
	_ =	sdelay $0x1  }
0x8a: {  	s1 =	srdreg.scid  }
0x8b: {  	s0 =	sand.u32 $0x1, s1  }
0x8c: {  	s17 =	sshll.u32 s0, $0xA;
	s2 =	sadd.s32 s3, s2  }
0x8d: {  	s2 =	sadd.s32 s2, s17  }
0x8e: {  	[smem:$0x3FC2] =	sst s2  }
0x8f: {  	_ = 	snop  }
0x90: {  	s2 =	sld [smem:$0x3FC8]  }
0x91: {  	s18 =	sld [smem:$0x3FD0];
	(tm) =	ssettm $0x1  }
0x92: {  	s4 =	sld [smem:$0x3FFB];
	_ =	sdelay $0x3  }
0x93: {  	_ =	strace s4  }
0x94: {  	s4 =	sld [smem:$0x3FFC];
	_ =	sdelay $0x3  }
0x95: {  	_ =	strace s4  }
0x96: {  	s4 =	sld [smem:$0x3FFD];
	_ =	sdelay $0x3  }
0x97: {  	_ =	strace s4  }
0x98: {  	_ =	strace $0x8FFFFFFF  }
0x99: {  	s19 =	sld [smem:$0x3FDB];
	_ =	sdelay $0x1  }
0x9a: {  	s5 =	simm.s32 $_scs_section_size  }
0x9b: {  	s6 =	simm.s32 $_size__tile_overlayer_lowered;
	s7 =	simm.s32 $_tile_overlayer_lowered  }
0x9c: {  	s22 =	simm.s32 $0x1BFF;
	s21 =	sshll.u32 s7, $0x1;
	s4 =	sadd.s32 s5, s19  }
0x9d: {  	s8 =	simm.s32 $0x0;
	s20 =	sshll.u32 s6, $0x1;
	s6 =	sadd.s32 s21, s4  }
0x9e: {  	[timem:s8], [sflag:s22] =	dma.local [hbm:s6], s20  }
0x9f: {  	_ =	swait.ge [sflag:s22], s20  }
0xa0: {  	s5 =	ssub.s32 $0x0, s20;
	[sflag:s22] =	ssyncset.done $0x0  }
0xa1: {  	[sflag:s22] =	ssyncadd.s32 s5;
	_ =	sdelay $0x1  }
0xa2: {  	s23 =	simm.s32 $0x1B8B  }
0xa3: {  	_ =	swait.ge [sflag:s23], $0x1  }
0xa4: {  	[sflag:s23] =	ssyncset.done $0x0  }
0xa5: {  	s25 =	simm.s32 $0x1B8E;
	s24 =	sld [smem:$0x3FFE];
	[sflag:s23] =	ssyncadd.s32 $0xFFFFFFFF  }
0xa6: {  	s26 =	simm.s32 $execute0_lowered;
	[smem:$0x3FD2] =	sst s25  }
0xa7: {  	s6 =	sshll.u32 s26, $0x1;
	_ =	strace $0x8000004C;
	[dreg:$0x1] =	wrdreg $0xFFFFFFFF  }
0xa8: {  	s28 =	simm.s32 $_size_execute0_lowered;
	s4 =	sadd.s32 s4, s6;
	[dreg:$0x0] =	wrdreg $0x0  }
0xa9: {  	s6 =	sshll.u32 s28, $0x1;
	[dreg:$0x2] =	wrdreg s4  }
0xaa: {  	[dreg:$0x3] =	wrdreg s6  }
0xab: {  	[dreg:$0x4] =	wrdreg $0xC0  }
0xac: {  	_ =	task [dreg:s8], $0x5FFFF  }
0xad: {  	[dreg:$0x1] =	wrdreg $0xFFFFFFFF  }
0xae: {  	[dreg:$0x0] =	wrdreg $0x60  }
0xaf: {  	[dreg:$0x2] =	wrdreg s24  }
0xb0: {  	[dreg:$0x3] =	wrdreg s2  }
0xb1: {  	[dreg:$0x4] =	wrdreg s18  }
0xb2: {  	[dreg:$0x5] =	wrdreg $0x6F000  }
0xb3: {  	[dreg:$0x6] =	wrdreg $0x96100  }
0xb4: {  	[dreg:$0x7] =	wrdreg $0x9  }
0xb5: {  	_ =	task.clear_ibuf [dreg:s8], $0x8FFFF;
	_ =	strace $0x9000004C  }
0xb6: {  	s29 =	simm.s32 $0x9;
	_ =	strace $0x8000004E  }
0xb7: {  	_ =	swait.ge [sflag:s29], $0x1  }
0xb8: {  	[sflag:s29] =	ssyncadd.s32 $0xFFFFFFFF  }
0xb9: {  	_ =	strace $0x9000004E  }
0xba: {  	_ =	sfence  }
0xbb: {  	s30 =	sld [smem:$0x0];
	_ =	sdelay $0x2  }
0xbc: {  	s31 =	sshll.u32 s1, $0xD;
	s1 =	sshrl.u32 s1, $0x2  }
0xbd: {  	s3 =	sand.u32 $0x4000, s31;
	s1 =	sadd.s32 s1, s30  }
0xbe: {  	s0 =	sor.u32 s3, s0;
	s1 =	sshll.u32 s1, $0x11  }
0xbf: {  	s0 =	sor.u32 s1, s0  }
0xc0: {  	s0 =	sadd.s32 $0x8F2B, s0  }
0xc1: {  	[sflag:s0] =	ssyncadd.remote.s32 $0x1  }
0xc2: {  	_ =	sfence.sel $0xFFFF  }
0xc3: {  	[dreg:$0x0] =	wrdreg $0xFFFFFFFF;
	(pc) =	sbr.abs _section_cstart, $3  }
0xc4: {  	[dreg:$0x1] =	wrdreg $0xFFFFFFFF  }
0xc5: {  	_ =	task.clear_ibuf [dreg:s8], $0x2FFFF;
	_ =	strace $0x9FFFFFFF  }
0xc6: {  	(tm) =	ssettm $0x7FFFFFFF  }
0xc7: {  	_ =	shalt  }
tec
execute0_lowered:
.L_overlay_start_1:
0x0: {  	(tag) =	ssettag $0x1  }
0x1: {  	s0 =	rddreg [dreg:$0x0]  }
0x2: {  	s1 =	rddreg [dreg:$0x1]  }
0x3: {  	s5 =	rddreg [dreg:$0x2]  }
0x4: {  	s2 =	rddreg [dreg:$0x3]  }
0x5: {  	s3 =	rddreg [dreg:$0x4]  }
0x6: {  	s11 =	stileid.u32;
	s6 =	srdreg.scid  }
0x7: {  	s4 =	simm.s32 $0x0;
	s13 =	simm.s32 $0x2F400;
	s16 =	simm.s32 $0x80  }
0x8: {  	s17 =	simm.s32 $0x4F00;
	s19 =	simm.s32 $0x5700;
	s21 =	simm.s32 $0x5F00  }
0x9: {  	s28 =	simm.s32 $0x4;
	s29 =	simm.s32 $0x5;
	s30 =	simm.s32 $0x6  }
0xa: {  	s31 =	simm.s32 $0x7;
	s18 =	simm.s32 $0x4D80;
	s20 =	simm.s32 $0x0  }
0xb: {  	s7 =	smul.u32 $0x2710, s11;
	s8 =	sand.u32 $0x1, s6;
	[smem:$0x7FF] =	sst s4  }
0xc: {  	s24 =	sshll.u32 s11, $0x6;
	s6 =	ssub.s32 $0x2, s8;
	_ =	strace $0x8000004D  }
0xd: {  	s23 =	sshll.u32 s8, $0x4;
	p0 =	seq.s32 s8, $0x1;
	s9 =	sshrl.u32 s7, $0x3  }
0xe: {  	s10 =	sshrl.u32 s6, $0x1;
	s15 =	sor.u32 s11, s23;
	s12 =	sadd.s32 s7, s2  }
0xf: {  	s14 =	sadd.s32 s7, s3;
	s13 =	simm.s32 @!p0 $0x34400;
	s23 =	simm.s32 $0x6700  }
0x10: {  	s0 =	sadd.s32 s9, s0;
	s10 =	ssub.s32 s6, s10;
	s5 =	sadd.s32 s5, s9  }
0x11: {  	s6 =	sor.u32 $0x1C09, s24;
	s25 =	smul.u32 $0x9C0, s15;
	s26 =	smin.u32 s15, $0x3  }
0x12: {  	s12 =	sshrl.u32 s12, $0x3;
	s14 =	sshrl.u32 s14, $0x3;
	s24 =	simm.s32 $0x1  }
0x13: {  	p0 =	sgt.u32 s15, $0x3;
	s7 =	sadd.s32 $0x2A400, s0;
	s11 =	sshll.u32 s26, $0x5  }
0x14: {  	s10 =	smax.u32 s10, $0x1;
	s26 =	simm.s32 $0x3;
	s8 =	sadd.s32 s1, s25  }
0x15: {  	s1 =	sadd.s32 s11, s1;
	s11 =	sadd.s32 s13, s0;
	s13 =	simm.s32 $0x9  }
0x16: {  	s25 =	simm.s32 $0x2;
	s0 =	simm.s32 $0x8;
	s9 =	sadd.s32 $0x13800, s1  }
.LBB2_1:
0x17: {  	[spmem:s12], [sflag:s6] =	dma.local [hbm:s5], $0x4E2  }
0x18: {  	_ =	swait.ge [sflag:s13], $0x4E2  }
0x19: {  	[sflag:s13] =	ssyncset.done $0x0  }
0x1a: {  	[sflag:s13] =	ssyncadd.s32 $0xFFFFFB1E  }
0x1b: {  	[spmem:s14], [sflag:s6] =	dma.local [hbm:s7], $0x4E2  }
0x1c: {  	_ =	swait.ge [sflag:s13], $0x4E2  }
0x1d: {  	[sflag:s13] =	ssyncset.done $0x0  }
0x1e: {  	[sflag:s13] =	ssyncadd.s32 $0xFFFFFB1E  }
0x1f: {  	[tilespmem:s4], [sflag:$0x9] =	stream.linear.gather [hbm4b:s8+s4], $0x4E00, $0x38;
	[tilespmem:$0xBD20] =	vst v63  }
0x20: {  	_ =	swait.ge [sflag:s13], $0x4E00  }
0x21: {  	[sflag:s13] =	ssyncset.done $0x0  }
0x22: {  	s1 =	simm.s32 $0x4E00;
	[sflag:s13] =	ssyncadd.s32 $0xFFFFB200  }
0x23: {  	[tilespmem:s1], [sflag:$0x9] =	stream.linear.gather [hbm4b:s9+s4], $0x100, $0x38;
	[tilespmem:$0xBD20] =	vst v63  }
0x24: {  	_ =	swait.ge [sflag:s13], $0x100  }
0x25: {  	[sflag:s13] =	ssyncset.done $0x0  }
0x26: {  	[sflag:s13] =	ssyncadd.s32 $0xFFFFFF00  }
0x27: {  	[bflag:$0x0] =	sbarrier.arrive $0xFFFF  }
0x28: {  	[tilespmem:s17], [sflag:$0x1] =	stream.indirect.gather [spmem:s3], $0x10, s4, s16, $0xb8;
	[tilespmem:$0xBD20] =	vst v63  }
0x29: {  	s15 =	simm.s32 $0x100  }
0x2a: {  	[tilespmem:s19], [sflag:$0x2] =	stream.indirect.gather [spmem:s3], $0x10, s15, s16, $0xb8;
	[tilespmem:$0xBD20] =	vst v63  }
0x2b: {  	s22 =	simm.s32 $0x200  }
0x2c: {  	[tilespmem:s21], [sflag:$0x3] =	stream.indirect.gather [spmem:s3], $0x10, s22, s16, $0xb8;
	[tilespmem:$0xBD20] =	vst v63  }
0x2d: {  	s15 =	simm.s32 $0x300  }
0x2e: {  	[tilespmem:s23], [sflag:$0x4] =	stream.indirect.gather [spmem:s3], $0x10, s15, s16, $0xb8;
	[tilespmem:$0xBD20] =	vst v63  }
0x2f: {  	_ =	swait.ge [sflag:s24], $0x800  }
0x30: {  	[sflag:s24] =	ssyncset.done $0x0  }
0x31: {  	s22 =	simm.s32 $0x80;
	[sflag:s24] =	ssyncadd.s32 $0xFFFFF800  }
0x32: {  	[spmem:s2] =	stream.indirect.scatter.add.f32 [tilespmem:s17], [sflag:$0x5], $0x10, s22, s16, $0xb8;
	[tilespmem:$0xBD20] =	vst v63  }
0x33: {  	_ =	swait.ge [sflag:s25], $0x800  }
0x34: {  	[sflag:s25] =	ssyncset.done $0x0  }
0x35: {  	s15 =	simm.s32 $0x180;
	[sflag:s25] =	ssyncadd.s32 $0xFFFFF800  }
0x36: {  	[spmem:s2] =	stream.indirect.scatter.add.f32 [tilespmem:s19], [sflag:$0x6], $0x10, s15, s16, $0xb8;
	[tilespmem:$0xBD20] =	vst v63  }
0x37: {  	_ =	swait.ge [sflag:s26], $0x800  }
0x38: {  	[sflag:s26] =	ssyncset.done $0x0  }
0x39: {  	s22 =	simm.s32 $0x280;
	[sflag:s26] =	ssyncadd.s32 $0xFFFFF800  }
0x3a: {  	[spmem:s2] =	stream.indirect.scatter.add.f32 [tilespmem:s21], [sflag:$0x7], $0x10, s22, s16, $0xb8;
	[tilespmem:$0xBD20] =	vst v63  }
0x3b: {  	_ =	swait.ge [sflag:s28], $0x800  }
0x3c: {  	[sflag:s28] =	ssyncset.done $0x0  }
0x3d: {  	s15 =	simm.s32 $0x380;
	[sflag:s28] =	ssyncadd.s32 $0xFFFFF800  }
0x3e: {  	[spmem:s2] =	stream.indirect.scatter.add.f32 [tilespmem:s23], [sflag:$0x8], $0x10, s15, s16, $0xb8;
	[tilespmem:$0xBD20] =	vst v63  }
0x3f: {  	_ =	swait.ge [sflag:s29], $0x800  }
0x40: {  	[sflag:s29] =	ssyncset.done $0x0  }
0x41: {  	s22 =	simm.s32 $0x400;
	[sflag:s29] =	ssyncadd.s32 $0xFFFFF800  }
0x42: {  	[tilespmem:s17], [sflag:$0x1] =	stream.indirect.gather [spmem:s3], $0x10, s22, s16, $0xb8;
	[tilespmem:$0xBD20] =	vst v63  }
0x43: {  	_ =	swait.ge [sflag:s30], $0x800  }
0x44: {  	[sflag:s30] =	ssyncset.done $0x0  }
0x45: {  	s15 =	simm.s32 $0x500;
	[sflag:s30] =	ssyncadd.s32 $0xFFFFF800  }
0x46: {  	[tilespmem:s19], [sflag:$0x2] =	stream.indirect.gather [spmem:s3], $0x10, s15, s16, $0xb8;
	[tilespmem:$0xBD20] =	vst v63  }
0x47: {  	_ =	swait.ge [sflag:s31], $0x800  }
0x48: {  	[sflag:s31] =	ssyncset.done $0x0  }
0x49: {  	s22 =	simm.s32 $0x600;
	[sflag:s31] =	ssyncadd.s32 $0xFFFFF800  }
0x4a: {  	[tilespmem:s21], [sflag:$0x3] =	stream.indirect.gather [spmem:s3], $0x10, s22, s16, $0xb8;
	[tilespmem:$0xBD20] =	vst v63  }
0x4b: {  	_ =	swait.ge [sflag:s0], $0x800  }
0x4c: {  	[sflag:s0] =	ssyncset.done $0x0  }
0x4d: {  	s1 =	simm.s32 $0x700;
	s22 =	simm.s32 $0x1000;
	[sflag:s0] =	ssyncadd.s32 $0xFFFFF800  }
.LBB2_2:
0x4e: {  	[tilespmem:s23], [sflag:$0x4] =	stream.indirect.gather [spmem:s3], $0x10, s1, s16, $0xb8;
	[tilespmem:$0xBD20] =	vst v63  }
0x4f: {  	s1 =	smov.u32 s22  }
0x50: {  	p1 =	sne.s32 s22, $0x11000;
	s22 =	sadd.s32 $0x1000, s22;
	_ =	swait.ge [sflag:s24], $0x800  }
0x51: {  	s1 =	sshra.s32 s1, $0x2;
	[sflag:s24] =	ssyncset.done $0x0  }
0x52: {  	s15 =	sadd.s32 $0x80, s1;
	[sflag:s24] =	ssyncadd.s32 $0xFFFFF800  }
0x53: {  	[spmem:s2] =	stream.indirect.scatter.add.f32 [tilespmem:s17], [sflag:$0x5], $0x10, s15, s16, $0xb8;
	[tilespmem:$0xBD20] =	vst v63  }
0x54: {  	_ =	swait.ge [sflag:s25], $0x800  }
0x55: {  	[sflag:s25] =	ssyncset.done $0x0  }
0x56: {  	s15 =	sadd.s32 $0x180, s1;
	[sflag:s25] =	ssyncadd.s32 $0xFFFFF800  }
0x57: {  	[spmem:s2] =	stream.indirect.scatter.add.f32 [tilespmem:s19], [sflag:$0x6], $0x10, s15, s16, $0xb8;
	[tilespmem:$0xBD20] =	vst v63  }
0x58: {  	_ =	swait.ge [sflag:s26], $0x800  }
0x59: {  	[sflag:s26] =	ssyncset.done $0x0  }
0x5a: {  	s15 =	sadd.s32 $0x280, s1;
	[sflag:s26] =	ssyncadd.s32 $0xFFFFF800  }
0x5b: {  	[spmem:s2] =	stream.indirect.scatter.add.f32 [tilespmem:s21], [sflag:$0x7], $0x10, s15, s16, $0xb8;
	[tilespmem:$0xBD20] =	vst v63  }
0x5c: {  	_ =	swait.ge [sflag:s28], $0x800  }
0x5d: {  	[sflag:s28] =	ssyncset.done $0x0  }
0x5e: {  	s15 =	sadd.s32 $0x380, s1;
	[sflag:s28] =	ssyncadd.s32 $0xFFFFF800  }
0x5f: {  	[spmem:s2] =	stream.indirect.scatter.add.f32 [tilespmem:s23], [sflag:$0x8], $0x10, s15, s16, $0xb8;
	[tilespmem:$0xBD20] =	vst v63  }
0x60: {  	_ =	swait.ge [sflag:s29], $0x800  }
0x61: {  	[sflag:s29] =	ssyncset.done $0x0  }
0x62: {  	s15 =	sadd.s32 $0x400, s1;
	[sflag:s29] =	ssyncadd.s32 $0xFFFFF800  }
0x63: {  	[tilespmem:s17], [sflag:$0x1] =	stream.indirect.gather [spmem:s3], $0x10, s15, s16, $0xb8;
	[tilespmem:$0xBD20] =	vst v63  }
0x64: {  	_ =	swait.ge [sflag:s30], $0x800  }
0x65: {  	[sflag:s30] =	ssyncset.done $0x0  }
0x66: {  	s15 =	sadd.s32 $0x500, s1;
	[sflag:s30] =	ssyncadd.s32 $0xFFFFF800  }
0x67: {  	[tilespmem:s19], [sflag:$0x2] =	stream.indirect.gather [spmem:s3], $0x10, s15, s16, $0xb8;
	[tilespmem:$0xBD20] =	vst v63  }
0x68: {  	_ =	swait.ge [sflag:s31], $0x800  }
0x69: {  	[sflag:s31] =	ssyncset.done $0x0  }
.Ltmp0:
0x6a: {  	s15 =	sadd.s32 $0x600, s1;
	[sflag:s31] =	ssyncadd.s32 $0xFFFFF800;
	(pc) =	sbr.rel @p1 .LBB2_2-.Ltmp0, $4  }
0x6b: {  	[tilespmem:s21], [sflag:$0x3] =	stream.indirect.gather [spmem:s3], $0x10, s15, s16, $0xb8;
	[tilespmem:$0xBD20] =	vst v63  }
0x6c: {  	_ =	swait.ge [sflag:s0], $0x800  }
0x6d: {  	[sflag:s0] =	ssyncset.done $0x0  }
0x6e: {  	s1 =	sadd.s32 $0x700, s1;
	[sflag:s0] =	ssyncadd.s32 $0xFFFFF800  }
0x6f: {  	[tilespmem:s23], [sflag:$0x4] =	stream.indirect.gather [spmem:s3], $0x10, s1, s16, $0xb8;
	[tilespmem:$0xBD20] =	vst v63  }
0x70: {  	_ =	swait.ge [sflag:s24], $0x800  }
0x71: {  	[sflag:s24] =	ssyncset.done $0x0  }
0x72: {  	s22 =	simm.s32 $0x4880;
	[sflag:s24] =	ssyncadd.s32 $0xFFFFF800  }
0x73: {  	[spmem:s2] =	stream.indirect.scatter.add.f32 [tilespmem:s17], [sflag:$0x5], $0x10, s22, s16, $0xb8;
	[tilespmem:$0xBD20] =	vst v63  }
0x74: {  	_ =	swait.ge [sflag:s25], $0x800  }
0x75: {  	[sflag:s25] =	ssyncset.done $0x0  }
0x76: {  	s15 =	simm.s32 $0x4980;
	[sflag:s25] =	ssyncadd.s32 $0xFFFFF800  }
0x77: {  	[spmem:s2] =	stream.indirect.scatter.add.f32 [tilespmem:s19], [sflag:$0x6], $0x10, s15, s16, $0xb8;
	[tilespmem:$0xBD20] =	vst v63  }
0x78: {  	_ =	swait.ge [sflag:s26], $0x800  }
0x79: {  	[sflag:s26] =	ssyncset.done $0x0  }
0x7a: {  	s22 =	simm.s32 $0x4A80;
	[sflag:s26] =	ssyncadd.s32 $0xFFFFF800  }
0x7b: {  	[spmem:s2] =	stream.indirect.scatter.add.f32 [tilespmem:s21], [sflag:$0x7], $0x10, s22, s16, $0xb8;
	[tilespmem:$0xBD20] =	vst v63  }
0x7c: {  	_ =	swait.ge [sflag:s28], $0x800  }
0x7d: {  	[sflag:s28] =	ssyncset.done $0x0  }
0x7e: {  	s15 =	simm.s32 $0x4B80;
	[sflag:s28] =	ssyncadd.s32 $0xFFFFF800  }
0x7f: {  	[spmem:s2] =	stream.indirect.scatter.add.f32 [tilespmem:s23], [sflag:$0x8], $0x10, s15, s16, $0xb8;
	[tilespmem:$0xBD20] =	vst v63  }
0x80: {  	_ =	swait.ge [sflag:s29], $0x800  }
0x81: {  	[sflag:s29] =	ssyncset.done $0x0  }
0x82: {  	[sflag:s29] =	ssyncadd.s32 $0xFFFFF800  }
0x83: {  	_ =	swait.ge [sflag:s30], $0x800  }
0x84: {  	[sflag:s30] =	ssyncset.done $0x0  }
0x85: {  	[sflag:s30] =	ssyncadd.s32 $0xFFFFF800  }
0x86: {  	_ =	swait.ge [sflag:s31], $0x800  }
0x87: {  	[sflag:s31] =	ssyncset.done $0x0  }
0x88: {  	[sflag:s31] =	ssyncadd.s32 $0xFFFFF800  }
0x89: {  	_ =	swait.ge [sflag:s0], $0x800  }
0x8a: {  	[sflag:s0] =	ssyncset.done $0x0  }
0x8b: {  	s22 =	simm.s32 $0x4C00;
	[sflag:s0] =	ssyncadd.s32 $0xFFFFF800  }
0x8c: {  	[tilespmem:s17], [sflag:$0x1] =	stream.indirect.gather [spmem:s3], $0x10, s22, s16, $0xb8;
	[tilespmem:$0xBD20] =	vst v63  }
0x8d: {  	s15 =	simm.s32 $0x4D00  }
0x8e: {  	[tilespmem:s19], [sflag:$0x2] =	stream.indirect.gather [spmem:s3], $0x10, s15, s16, $0xb8;
	[tilespmem:$0xBD20] =	vst v63  }
0x8f: {  	_ =	swait.ge [sflag:s24], $0x800  }
0x90: {  	[sflag:s24] =	ssyncset.done $0x0  }
0x91: {  	s22 =	simm.s32 $0x4C80;
	[sflag:s24] =	ssyncadd.s32 $0xFFFFF800  }
0x92: {  	[spmem:s2] =	stream.indirect.scatter.add.f32 [tilespmem:s17], [sflag:$0x5], $0x10, s22, s16, $0xb8;
	[tilespmem:$0xBD20] =	vst v63  }
0x93: {  	_ =	swait.ge [sflag:s25], $0x800  }
0x94: {  	[sflag:s25] =	ssyncset.done $0x0  }
0x95: {  	[sflag:s25] =	ssyncadd.s32 $0xFFFFF800  }
0x96: {  	[spmem:s2] =	stream.indirect.scatter.add.f32 [tilespmem:s19], [sflag:$0x6], $0x10, s18, s16, $0xb8;
	[tilespmem:$0xBD20] =	vst v63  }
0x97: {  	_ =	swait.ge [sflag:s29], $0x800  }
0x98: {  	[sflag:s29] =	ssyncset.done $0x0  }
0x99: {  	[sflag:s29] =	ssyncadd.s32 $0xFFFFF800  }
0x9a: {  	_ =	swait.ge [sflag:s30], $0x800  }
0x9b: {  	s1 =	simm.s32 @!p0 $0x80;
	[sflag:s30] =	ssyncset.done $0x0  }
0x9c: {  	s15 =	simm.s32 @!p0 $0x4E00;
	s22 =	simm.s32 @!p0 $0x4F00;
	[sflag:s30] =	ssyncadd.s32 $0xFFFFF800  }
0x9d: {  	[tilespmem:s22], [sflag:$0x1] =	stream.indirect.gather @!p0 [spmem:s3], $0x10, s15, s1, $0xb8;
	[tilespmem:$0xBD20] =	vst v63  }
0x9e: {  	s15 =	simm.s32 @!p0 $0x1  }
0x9f: {  	_ =	swait.ge @!p0 [sflag:s15], $0x800  }
0xa0: {  	[sflag:s15] =	ssyncset.done @!p0 $0x0  }
0xa1: {  	[sflag:s15] =	ssyncadd.s32 @!p0 $0xFFFFF800;
	s15 =	simm.s32 @!p0 $0x4E80  }
0xa2: {  	[spmem:s2] =	stream.indirect.scatter.add.f32 @!p0 [tilespmem:s22], [sflag:$0x5], $0x10, s15, s1, $0xb8;
	[tilespmem:$0xBD20] =	vst v63  }
0xa3: {  	s1 =	simm.s32 @!p0 $0x5  }
0xa4: {  	_ =	swait.ge @!p0 [sflag:s1], $0x800  }
0xa5: {  	s20 =	sadd.s32 $0x1, s20;
	[sflag:s1] =	ssyncset.done @!p0 $0x0  }
0xa6: {  	p1 =	sne.s32 s20, s10;
	[sflag:s1] =	ssyncadd.s32 @!p0 $0xFFFFF800  }
.Ltmp1:
0xa7: {  	[bflag:$0x0] =	sbarrier.arrive $0xFFFF;
	(pc) =	sbr.rel @p1 .LBB2_1-.Ltmp1, $4  }
0xa8: {  	[hbm:s11], [sflag:s6] =	dma.local [spmem:s12], $0x4E2  }
0xa9: {  	_ =	swait.ge [sflag:s13], $0x4E2  }
0xaa: {  	[sflag:s13] =	ssyncset.done $0x0  }
0xab: {  	[sflag:s13] =	ssyncadd.s32 $0xFFFFFB1E  }
0xac: {  	_ =	sfence.sel $0x180000  }
0xad: {  	[bflag:$0x0] =	sbarrier.arrive $0xFFFF  }
0xae: {  	_ =	strace $0x9000004D  }
0xaf: {  	s0 =	stileid.u32;
	[bflag:$0x2] =	sbarrier.arrive $0xFFFF  }
0xb0: {  	p0 =	sne.s32 s0, $0x0;
	s0 =	rddreg [dreg:$0x5]  }
0xb1: {  	s0 =	sadd.s32 @!p0 $0x100000, s0  }
0xb2: {  	[sflag:s0] =	ssyncadd.tile.s32 @!p0 $0x1;
	_ =	shalt  }
.Lfunc_end2:
_tile_overlayer_lowered:
.L_overlay_start_2:
0xb3: {  	(tag) =	ssettag $0x2  }
0xb4: {  	s0 =	rddreg [dreg:$0x0];
	s2 =	stileid.u32  }
0xb5: {  	s1 =	rddreg [dreg:$0x1];
	p0 =	sne.s32 s2, $0x0  }
0xb6: {  	s3 =	rddreg [dreg:$0x2];
	[bflag:$0x3] =	sbarrier.arrive $0xFFFF;
	s2 =	simm.s32 @!p0 $0x1C09  }
0xb7: {  	[timem:s3], [sflag:s2] =	dma.local @!p0 [hbm:s0], s1  }
0xb8: {  	s0 =	simm.s32 @!p0 $0x9  }
0xb9: {  	_ =	swait.ge @!p0 [sflag:s0], s1  }
0xba: {  	s1 =	ssub.s32 @!p0 $0x0, s1;
	[sflag:s0] =	ssyncset.done @!p0 $0x0  }
0xbb: {  	[sflag:s0] =	ssyncadd.s32 @!p0 s1  }
0xbc: {  	[bflag:$0x3] =	sbarrier.arrive $0xFFFF  }
0xbd: {  	_ =	shalt  }

// kernel: kernel.9.cloned.1.call-start
scs
__scs_entry_jumppad:
0x0: {  	(pc) =	sbr.rel $0x88, $3  }
0x1: {  	(tag) =	ssettag $0x0;
	lr =	simm.s32 $0x1  }
0x2: {  	[smem:$0x3F9B] =	sst lr;
	_ =	strace $0xD0000000  }
0x3: {  	_ = 	snop  }
0x4: {  	_ = 	snop  }
0x5: {  	_ = 	snop  }
0x6: {  	_ = 	snop  }
0x7: {  	_ = 	snop  }
__scs_overlays_trampoline_lowered:
0x8: {  	[smem:$0x3FAA] =	sst s0  }
0x9: {  	[smem:$0x3FAB] =	sst s1  }
0xa: {  	[smem:$0x3FAC] =	sst s2  }
0xb: {  	[smem:$0x3FAD] =	sst s3  }
0xc: {  	[smem:$0x3FAE] =	sst s4  }
0xd: {  	[smem:$0x3FAF] =	sst s5  }
0xe: {  	[smem:$0x3FB0] =	sst s6  }
0xf: {  	[smem:$0x3FB1] =	sst s7  }
0x10: {  	[smem:$0x3FB2] =	sst s8  }
0x11: {  	[smem:$0x3FB3] =	sst s9;
	s0 =	simm.s32 @!p0 $0x0  }
0x12: {  	s1 =	sld [smem:$0x3F99];
	s0 =	simm.s32 @p0 $0x1  }
0x13: {  	[smem:$0x3FB4] =	sst s0;
	s0 =	simm.s32 @!p1 $0x0  }
0x14: {  	s2 =	sld [smem:$0x3F98];
	s0 =	simm.s32 @p1 $0x1  }
0x15: {  	[smem:$0x3FB5] =	sst s0;
	s0 =	simm.s32 @!p2 $0x0  }
0x16: {  	s3 =	sld [smem:$0x3FDB];
	s0 =	simm.s32 @p2 $0x1  }
0x17: {  	s4 =	simm.s32 $0x1BF5;
	[smem:$0x3FB7] =	sst s0  }
0x18: {  	s0 =	sld [smem:$0x3F9A];
	_ =	swait.ge [sflag:s4], $0x0  }
0x19: {  	s7 =	sld [smem:$0x3F9B]  }
0x1a: {  	s8 =	sadd.s32 $0xFFFFE003, lr  }
0x1b: {  	s9 =	sadd.s32 $0xFFFFFEF7, lr;
	s5 =	simm.s32 $0xFFFFFFFF;
	p2 =	slt.u32 s8, $0xFFFFF086  }
0x1c: {  	p1 =	slt.u32 s9, $0xF7A;
	s5 =	simm.s32 @!p2 $0x0  }
0x1d: {  	s5 =	simm.s32 @p1 $0x1;
	p0 =	seq.s32 s7, s2  }
0x1e: {  	s7 =	smul.u32 @!p0 $0xF7A, s2;
	p2 =	seq.s32 @!p0 s5, $0x0  }
0x1f: {  	s9 =	smul.u32 $0xF7A, s1;
	s8 =	simm.s32 @!p0 $0x1BF5;
	p2 =	por !p2, p0  }
0x20: {  	[sflag:s8] =	ssyncset.s32 @!p0 $0xFFFFF086;
	s6 =	sadd.s32 @!p0 s3, s7;
	s7 =	simm.s32 @!p0 $0x108  }
0x21: {  	s3 =	sadd.s32 s3, s9;
	s6 =	sadd.s32 @!p0 $0x88, s6;
	s7 =	simm.s32 @p2 $0x1082  }
0x22: {  	[simem:s7], [sflag:s8] =	dma.local @!p0 [hbm:s6], $0xF7A  }
0x23: {  	s9 =	sor.u32 $0xD0000000, s2;
	s6 =	simm.s32 $0x108;
	_ =	swait.ge @!p0 [sflag:s8], $0x0  }
0x24: {  	s3 =	sadd.s32 $0x88, s3;
	s6 =	simm.s32 @!p1 $0x1082;
	[sflag:s4] =	ssyncset.s32 $0xFFFFF086  }
0x25: {  	[simem:s6], [sflag:s4] =	dma.local [hbm:s3], $0xF7A  }
0x26: {  	[smem:$0x3F9B] =	sst s1;
	(tag) =	ssettag s2;
	_ =	strace s9  }
0x27: {  	s1 =	sld [smem:$0x3FAB]  }
0x28: {  	s2 =	sld [smem:$0x3FAC]  }
0x29: {  	s4 =	sld [smem:$0x3FAE]  }
0x2a: {  	p0 =	seq.s32 s5, $0x0;
	s5 =	sld [smem:$0x3FAF]  }
0x2b: {  	s6 =	sld [smem:$0x3FB0]  }
0x2c: {  	s7 =	sld [smem:$0x3FB1]  }
0x2d: {  	s3 =	simm.s32 $0x108;
	s8 =	sld [smem:$0x3FB2]  }
0x2e: {  	s3 =	simm.s32 @!p0 $0x1082;
	s9 =	sld [smem:$0x3FB3]  }
0x2f: {  	lr =	sadd.s32 s0, s3;
	s0 =	sld [smem:$0x3FAA]  }
0x30: {  	s3 =	sld [smem:$0x3FAD]  }
0x31: {  	[smem:$0x3FB6] =	sst s10  }
0x32: {  	s10 =	sld [smem:$0x3FB4];
	_ =	sdelay $0x3  }
0x33: {  	p0 =	seq.s32 s10, $0x1;
	s10 =	sld [smem:$0x3FB6];
	_ =	sdelay $0x3  }
0x34: {  	[smem:$0x3FB6] =	sst s10  }
0x35: {  	s10 =	sld [smem:$0x3FB5];
	_ =	sdelay $0x3  }
0x36: {  	p1 =	seq.s32 s10, $0x1;
	s10 =	sld [smem:$0x3FB6];
	_ =	sdelay $0x3  }
0x37: {  	[smem:$0x3FB6] =	sst s10  }
0x38: {  	s10 =	sld [smem:$0x3FB7]  }
0x39: {  	_ = 	snop;
	(pc) =	sbr.ind lr, $3  }
0x3a: {  	_ = 	snop  }
0x3b: {  	_ = 	snop  }
0x3c: {  	p2 =	seq.s32 s10, $0x1;
	s10 =	sld [smem:$0x3FB6]  }
0x3d: {  	_ =	shalt  }
0x3e: {  	_ =	shalt  }
0x3f: {  	_ =	shalt  }
0x40: {  	_ =	shalt  }
0x41: {  	_ =	shalt  }
0x42: {  	_ =	shalt  }
0x43: {  	_ =	shalt  }
0x44: {  	_ =	shalt  }
0x45: {  	_ =	shalt  }
0x46: {  	_ =	shalt  }
0x47: {  	_ =	shalt  }
0x48: {  	_ =	shalt  }
0x49: {  	_ =	shalt  }
0x4a: {  	_ =	shalt  }
0x4b: {  	_ =	shalt  }
0x4c: {  	_ =	shalt  }
0x4d: {  	_ =	shalt  }
0x4e: {  	_ =	shalt  }
0x4f: {  	_ =	shalt  }
0x50: {  	_ =	shalt  }
0x51: {  	_ =	shalt  }
0x52: {  	_ =	shalt  }
0x53: {  	_ =	shalt  }
0x54: {  	_ =	shalt  }
0x55: {  	_ =	shalt  }
0x56: {  	_ =	shalt  }
0x57: {  	_ =	shalt  }
0x58: {  	_ =	shalt  }
0x59: {  	_ =	shalt  }
0x5a: {  	_ =	shalt  }
0x5b: {  	_ =	shalt  }
0x5c: {  	_ =	shalt  }
0x5d: {  	_ =	shalt  }
0x5e: {  	_ =	shalt  }
0x5f: {  	_ =	shalt  }
0x60: {  	_ =	shalt  }
0x61: {  	_ =	shalt  }
0x62: {  	_ =	shalt  }
0x63: {  	_ =	shalt  }
0x64: {  	_ =	shalt  }
0x65: {  	_ =	shalt  }
0x66: {  	_ =	shalt  }
0x67: {  	_ =	shalt  }
0x68: {  	_ =	shalt  }
0x69: {  	_ =	shalt  }
0x6a: {  	_ =	shalt  }
0x6b: {  	_ =	shalt  }
0x6c: {  	_ =	shalt  }
0x6d: {  	_ =	shalt  }
0x6e: {  	_ =	shalt  }
0x6f: {  	_ =	shalt  }
0x70: {  	_ =	shalt  }
0x71: {  	_ =	shalt  }
0x72: {  	_ =	shalt  }
0x73: {  	_ =	shalt  }
0x74: {  	_ =	shalt  }
0x75: {  	_ =	shalt  }
0x76: {  	_ =	shalt  }
0x77: {  	_ =	shalt  }
0x78: {  	_ =	shalt  }
0x79: {  	_ =	shalt  }
0x7a: {  	_ =	shalt  }
0x7b: {  	_ =	shalt  }
0x7c: {  	_ =	shalt  }
0x7d: {  	_ =	shalt  }
0x7e: {  	_ =	shalt  }
0x7f: {  	_ =	shalt  }
0x80: {  	_ =	shalt  }
0x81: {  	_ =	shalt  }
0x82: {  	_ =	shalt  }
0x83: {  	_ =	shalt  }
0x84: {  	_ =	shalt  }
0x85: {  	_ =	shalt  }
0x86: {  	_ =	shalt  }
0x87: {  	_ =	shalt  }
.Lfunc_end0:
.L_simem_size_0:
called_computation_lowered:
.L_overlay_start_0:
0x88: {  	s2 =	sld [smem:$0x3FD9]  }
0x89: {  	s3 =	sld [smem:$0x3FFE];
	_ =	sdelay $0x1  }
0x8a: {  	s1 =	srdreg.scid  }
0x8b: {  	s0 =	sand.u32 $0x1, s1  }
0x8c: {  	s17 =	sshll.u32 s0, $0xA;
	s2 =	sadd.s32 s3, s2  }
0x8d: {  	s2 =	sadd.s32 s2, s17  }
0x8e: {  	[smem:$0x3FC2] =	sst s2  }
0x8f: {  	_ = 	snop  }
0x90: {  	s2 =	sld [smem:$0x3FC8]  }
0x91: {  	s18 =	sld [smem:$0x3FD0];
	(tm) =	ssettm $0x1  }
0x92: {  	s4 =	sld [smem:$0x3FFB];
	_ =	sdelay $0x3  }
0x93: {  	_ =	strace s4  }
0x94: {  	s4 =	sld [smem:$0x3FFC];
	_ =	sdelay $0x3  }
0x95: {  	_ =	strace s4  }
0x96: {  	s4 =	sld [smem:$0x3FFD];
	_ =	sdelay $0x3  }
0x97: {  	_ =	strace s4  }
0x98: {  	_ =	strace $0x8FFFFFFF  }
0x99: {  	s19 =	sld [smem:$0x3FDB];
	_ =	sdelay $0x1  }
0x9a: {  	s5 =	simm.s32 $_scs_section_size  }
0x9b: {  	s6 =	simm.s32 $_size__tile_overlayer_lowered;
	s7 =	simm.s32 $_tile_overlayer_lowered  }
0x9c: {  	s22 =	simm.s32 $0x1BFF;
	s21 =	sshll.u32 s7, $0x1;
	s4 =	sadd.s32 s5, s19  }
0x9d: {  	s8 =	simm.s32 $0x0;
	s20 =	sshll.u32 s6, $0x1;
	s6 =	sadd.s32 s21, s4  }
0x9e: {  	[timem:s8], [sflag:s22] =	dma.local [hbm:s6], s20  }
0x9f: {  	_ =	swait.ge [sflag:s22], s20  }
0xa0: {  	s5 =	ssub.s32 $0x0, s20;
	[sflag:s22] =	ssyncset.done $0x0  }
0xa1: {  	[sflag:s22] =	ssyncadd.s32 s5;
	_ =	sdelay $0x1  }
0xa2: {  	s23 =	simm.s32 $0x1B8B  }
0xa3: {  	_ =	swait.ge [sflag:s23], $0x1  }
0xa4: {  	[sflag:s23] =	ssyncset.done $0x0  }
0xa5: {  	s25 =	simm.s32 $0x1B8E;
	s24 =	sld [smem:$0x3FFE];
	[sflag:s23] =	ssyncadd.s32 $0xFFFFFFFF  }
0xa6: {  	s26 =	simm.s32 $execute0_lowered;
	[smem:$0x3FD2] =	sst s25  }
0xa7: {  	s6 =	sshll.u32 s26, $0x1;
	_ =	strace $0x80000046;
	[dreg:$0x1] =	wrdreg $0xFFFFFFFF  }
0xa8: {  	s28 =	simm.s32 $_size_execute0_lowered;
	s4 =	sadd.s32 s4, s6;
	[dreg:$0x0] =	wrdreg $0x0  }
0xa9: {  	s6 =	sshll.u32 s28, $0x1;
	[dreg:$0x2] =	wrdreg s4  }
0xaa: {  	[dreg:$0x3] =	wrdreg s6  }
0xab: {  	[dreg:$0x4] =	wrdreg $0xC0  }
0xac: {  	_ =	task [dreg:s8], $0x5FFFF  }
0xad: {  	[dreg:$0x1] =	wrdreg $0xFFFFFFFF  }
0xae: {  	[dreg:$0x0] =	wrdreg $0x60  }
0xaf: {  	[dreg:$0x2] =	wrdreg s2  }
0xb0: {  	[dreg:$0x3] =	wrdreg s24  }
0xb1: {  	[dreg:$0x4] =	wrdreg s18  }
0xb2: {  	[dreg:$0x5] =	wrdreg $0x57000  }
0xb3: {  	[dreg:$0x6] =	wrdreg $0x9  }
0xb4: {  	_ =	task.clear_ibuf [dreg:s8], $0x7FFFF;
	_ =	strace $0x90000046  }
0xb5: {  	s29 =	simm.s32 $0x9;
	_ =	strace $0x80000048  }
0xb6: {  	_ =	swait.ge [sflag:s29], $0x1  }
0xb7: {  	[sflag:s29] =	ssyncadd.s32 $0xFFFFFFFF  }
0xb8: {  	_ =	strace $0x90000048  }
0xb9: {  	_ =	sfence  }
0xba: {  	s30 =	sld [smem:$0x0];
	_ =	sdelay $0x2  }
0xbb: {  	s31 =	sshll.u32 s1, $0xD;
	s1 =	sshrl.u32 s1, $0x2  }
0xbc: {  	s3 =	sand.u32 $0x4000, s31;
	s1 =	sadd.s32 s1, s30  }
0xbd: {  	s0 =	sor.u32 s3, s0;
	s1 =	sshll.u32 s1, $0x11  }
0xbe: {  	s0 =	sor.u32 s1, s0  }
0xbf: {  	s0 =	sadd.s32 $0x8F2B, s0  }
0xc0: {  	[sflag:s0] =	ssyncadd.remote.s32 $0x1  }
0xc1: {  	_ =	sfence.sel $0xFFFF  }
0xc2: {  	[dreg:$0x0] =	wrdreg $0xFFFFFFFF;
	(pc) =	sbr.abs _section_cstart, $3  }
0xc3: {  	[dreg:$0x1] =	wrdreg $0xFFFFFFFF  }
0xc4: {  	_ =	task.clear_ibuf [dreg:s8], $0x2FFFF;
	_ =	strace $0x9FFFFFFF  }
0xc5: {  	(tm) =	ssettm $0x7FFFFFFF  }
tec
execute0_lowered:
.L_overlay_start_1:
0x0: {  	(tag) =	ssettag $0x1  }
0x1: {  	s7 =	rddreg [dreg:$0x0]  }
0x2: {  	s9 =	rddreg [dreg:$0x1]  }
0x3: {  	s5 =	rddreg [dreg:$0x2]  }
0x4: {  	s2 =	rddreg [dreg:$0x3]  }
0x5: {  	s0 =	rddreg [dreg:$0x4];
	s4 =	srdreg.scid  }
0x6: {  	s3 =	simm.s32 $0x0;
	s1 =	stileid.u32;
	s15 =	simm.s32 $0x3400  }
0x7: {  	s16 =	simm.s32 $0x180;
	s17 =	simm.s32 $0x1;
	s18 =	simm.s32 $0x2  }
0x8: {  	s6 =	sand.u32 $0x1, s4;
	[smem:$0x7FF] =	sst s3;
	s10 =	smul.u32 $0x2710, s1  }
0x9: {  	s4 =	sadd.s32 $0x3200, s9;
	s28 =	sshll.u32 s1, $0x6;
	s8 =	ssub.s32 $0x2, s6  }
0xa: {  	_ =	strace $0x80000047;
	s26 =	sshll.u32 s6, $0x4;
	p0 =	seq.s32 s6, $0x1  }
0xb: {  	s6 =	sor.u32 $0x1C03, s28;
	s11 =	sshrl.u32 s8, $0x1;
	s12 =	sshrl.u32 s10, $0x3  }
0xc: {  	s19 =	sor.u32 s1, s26;
	s13 =	sadd.s32 s10, s2;
	s15 =	simm.s32 @!p0 $0x8400  }
0xd: {  	s11 =	ssub.s32 s8, s11;
	s5 =	sadd.s32 s5, s12;
	s29 =	smul.u32 $0x9C0, s19  }
0xe: {  	s14 =	smin.u32 s19, $0x3;
	s31 =	sadd.s32 s15, s9;
	s15 =	simm.s32 $0x80  }
0xf: {  	p0 =	sgt.u32 s19, $0x3;
	s19 =	simm.s32 $0x0;
	s14 =	sshll.u32 s14, $0x5  }
0x10: {  	s9 =	smax.u32 s11, $0x1;
	s10 =	sadd.s32 s31, s12;
	s11 =	sshrl.u32 s13, $0x3  }
0x11: {  	s12 =	simm.s32 $0x3;
	s13 =	simm.s32 $0x4E00;
	s30 =	sadd.s32 s14, s7  }
0x12: {  	s7 =	sadd.s32 s7, s29;
	s14 =	simm.s32 $0x4F00;
	s8 =	sadd.s32 $0x13800, s30  }
.LBB2_1:
0x13: {  	[spmem:s11], [sflag:s6] =	dma.local [hbm:s5], $0x4E2  }
0x14: {  	_ =	swait.ge [sflag:s12], $0x4E2  }
0x15: {  	[sflag:s12] =	ssyncset.done $0x0  }
0x16: {  	[sflag:s12] =	ssyncadd.s32 $0xFFFFFB1E  }
0x17: {  	[tilespmem:s3], [sflag:$0x3] =	stream.linear.gather [hbm4b:s7+s3], $0x4E00, $0x38;
	[tilespmem:$0x7E10] =	vst v63  }
0x18: {  	_ =	swait.ge [sflag:s12], $0x4E00  }
0x19: {  	[sflag:s12] =	ssyncset.done $0x0  }
0x1a: {  	[sflag:s12] =	ssyncadd.s32 $0xFFFFB200  }
0x1b: {  	[tilespmem:s13], [sflag:$0x3] =	stream.linear.gather [hbm4b:s8+s3], $0x100, $0x38;
	[tilespmem:$0x7E10] =	vst v63  }
0x1c: {  	_ =	swait.ge [sflag:s12], $0x100  }
0x1d: {  	[sflag:s12] =	ssyncset.done $0x0  }
0x1e: {  	[sflag:s12] =	ssyncadd.s32 $0xFFFFFF00  }
0x1f: {  	[tilespmem:s14], [sflag:$0x3] =	stream.linear.gather [hbm4b:s4+s3], $0x800, $0x38;
	[tilespmem:$0x7E10] =	vst v63  }
0x20: {  	_ =	swait.ge [sflag:s12], $0x800  }
0x21: {  	[sflag:s12] =	ssyncset.done $0x0  }
0x22: {  	[sflag:s12] =	ssyncadd.s32 $0xFFFFF800  }
0x23: {  	[bflag:$0x0] =	sbarrier.arrive $0xFFFF  }
0x24: {  	[spmem:s2] =	stream.indirect.scatter.add.f32 [tilespmem:s14], [sflag:$0x1], $0x10, s15, s15, $0xb8;
	[tilespmem:$0x7E10] =	vst v63  }
0x25: {  	_ = 	snop  }
0x26: {  	[spmem:s2] =	stream.indirect.scatter.add.f32 [tilespmem:s14], [sflag:$0x2], $0x10, s16, s15, $0xb8;
	[tilespmem:$0x7E10] =	vst v63  }
0x27: {  	_ =	swait.ge [sflag:s17], $0x800  }
0x28: {  	[sflag:s17] =	ssyncset.done $0x0  }
0x29: {  	s20 =	simm.s32 $0x280;
	[sflag:s17] =	ssyncadd.s32 $0xFFFFF800  }
0x2a: {  	[spmem:s2] =	stream.indirect.scatter.add.f32 [tilespmem:s14], [sflag:$0x1], $0x10, s20, s15, $0xb8;
	[tilespmem:$0x7E10] =	vst v63  }
0x2b: {  	_ =	swait.ge [sflag:s18], $0x800  }
0x2c: {  	[sflag:s18] =	ssyncset.done $0x0  }
0x2d: {  	s21 =	simm.s32 $0x380;
	s20 =	simm.s32 $0xFFFED800;
	[sflag:s18] =	ssyncadd.s32 $0xFFFFF800  }
.LBB2_2:
0x2e: {  	[spmem:s2] =	stream.indirect.scatter.add.f32 [tilespmem:s14], [sflag:$0x2], $0x10, s21, s15, $0xb8;
	[tilespmem:$0x7E10] =	vst v63  }
0x2f: {  	s21 =	smov.u32 s20  }
0x30: {  	p1 =	sne.s32 s20, $0xFFFFF800;
	s20 =	sadd.s32 $0x800, s20;
	_ =	swait.ge [sflag:s17], $0x800  }
0x31: {  	s21 =	sshra.s32 s21, $0x2;
	[sflag:s17] =	ssyncset.done $0x0  }
.Ltmp0:
0x32: {  	s22 =	sadd.s32 $0x4E80, s21;
	[sflag:s17] =	ssyncadd.s32 $0xFFFFF800;
	(pc) =	sbr.rel @p1 .LBB2_2-.Ltmp0, $4  }
0x33: {  	[spmem:s2] =	stream.indirect.scatter.add.f32 [tilespmem:s14], [sflag:$0x1], $0x10, s22, s15, $0xb8;
	[tilespmem:$0x7E10] =	vst v63  }
0x34: {  	_ =	swait.ge [sflag:s18], $0x800  }
0x35: {  	[sflag:s18] =	ssyncset.done $0x0  }
0x36: {  	s21 =	sadd.s32 $0x4F80, s21;
	[sflag:s18] =	ssyncadd.s32 $0xFFFFF800  }
0x37: {  	[spmem:s2] =	stream.indirect.scatter.add.f32 [tilespmem:s14], [sflag:$0x2], $0x10, s21, s15, $0xb8;
	[tilespmem:$0x7E10] =	vst v63  }
0x38: {  	_ =	swait.ge [sflag:s17], $0x800  }
0x39: {  	[sflag:s17] =	ssyncset.done $0x0  }
0x3a: {  	[sflag:s17] =	ssyncadd.s32 $0xFFFFF800  }
0x3b: {  	_ =	swait.ge [sflag:s18], $0x800  }
0x3c: {  	s20 =	simm.s32 @!p0 $0x80;
	[sflag:s18] =	ssyncset.done $0x0  }
0x3d: {  	s21 =	simm.s32 @!p0 $0x4E80;
	s22 =	simm.s32 @!p0 $0x4F00;
	[sflag:s18] =	ssyncadd.s32 $0xFFFFF800  }
0x3e: {  	[spmem:s2] =	stream.indirect.scatter.add.f32 @!p0 [tilespmem:s22], [sflag:$0x1], $0x10, s21, s20, $0xb8;
	[tilespmem:$0x7E10] =	vst v63  }
0x3f: {  	s20 =	simm.s32 @!p0 $0x1  }
0x40: {  	_ =	swait.ge @!p0 [sflag:s20], $0x800  }
0x41: {  	s19 =	sadd.s32 $0x1, s19;
	[sflag:s20] =	ssyncset.done @!p0 $0x0  }
0x42: {  	p1 =	sne.s32 s19, s9;
	[sflag:s20] =	ssyncadd.s32 @!p0 $0xFFFFF800  }
.Ltmp1:
0x43: {  	[bflag:$0x0] =	sbarrier.arrive $0xFFFF;
	(pc) =	sbr.rel @p1 .LBB2_1-.Ltmp1, $4  }
0x44: {  	[hbm:s10], [sflag:s6] =	dma.local [spmem:s11], $0x4E2  }
0x45: {  	_ =	swait.ge [sflag:s12], $0x4E2  }
0x46: {  	[sflag:s12] =	ssyncset.done $0x0  }
0x47: {  	[sflag:s12] =	ssyncadd.s32 $0xFFFFFB1E  }
0x48: {  	_ =	sfence.sel $0x180000  }
0x49: {  	[bflag:$0x0] =	sbarrier.arrive $0xFFFF  }
0x4a: {  	p0 =	sne.s32 s1, $0x0;
	_ =	strace $0x90000047  }
0x4b: {  	s0 =	sadd.s32 @!p0 $0x100000, s0;
	[bflag:$0x2] =	sbarrier.arrive $0xFFFF  }
0x4c: {  	[sflag:s0] =	ssyncadd.tile.s32 @!p0 $0x1;
	_ =	shalt  }
.Lfunc_end2:
_tile_overlayer_lowered:
.L_overlay_start_2:
0x4d: {  	(tag) =	ssettag $0x2  }
0x4e: {  	s0 =	rddreg [dreg:$0x0];
	s2 =	stileid.u32  }
0x4f: {  	s1 =	rddreg [dreg:$0x1];
	p0 =	sne.s32 s2, $0x0  }
0x50: {  	s3 =	rddreg [dreg:$0x2];
	[bflag:$0x3] =	sbarrier.arrive $0xFFFF;
	s2 =	simm.s32 @!p0 $0x1C03  }
0x51: {  	[timem:s3], [sflag:s2] =	dma.local @!p0 [hbm:s0], s1  }
0x52: {  	s0 =	simm.s32 @!p0 $0x3  }
0x53: {  	_ =	swait.ge @!p0 [sflag:s0], s1  }
0x54: {  	s1 =	ssub.s32 @!p0 $0x0, s1;
	[sflag:s0] =	ssyncset.done @!p0 $0x0  }
0x55: {  	[sflag:s0] =	ssyncadd.s32 @!p0 s1  }
0x56: {  	[bflag:$0x3] =	sbarrier.arrive $0xFFFF  }
0x57: {  	_ =	shalt  }

</sc_bundles>
